<compile_context>
chip_gen: v7x
topology: tpu7x:2x2x1
jax: 0.10.2.dev20260603
libtpu: 0.0.44.dev20260713+nightly
codegen_flags: <defaults>
</compile_context>

<pallas_src>
import functools

import jax
import jax.numpy as jnp
from jax import lax
from jax.experimental import pallas as pl
from jax.experimental.pallas import tpu as pltpu
from jax.experimental.pallas import tpu_sc as plsc

_CH = 128


def _sc_gather(img_idx, dR_flat, dT_flat, n_images):
    B = img_idx.shape[0]
    info = plsc.get_sparse_core_info()
    nc, ns = info.num_cores, info.num_subcores
    nw = nc * ns
    bpw = B // nw
    assert B % (nw * _CH) == 0
    rpw = bpw // _CH

    mesh = plsc.VectorSubcoreMesh(core_axis_name="c", subcore_axis_name="s")

    @functools.partial(
        pl.kernel,
        mesh=mesh,
        out_type=jax.ShapeDtypeStruct((6, nw, rpw, _CH), jnp.float32),
        scratch_types=[
            pltpu.VMEM((bpw,), jnp.int32),
            pltpu.VMEM((6, rpw, _CH), jnp.float32),
        ]
        + [pltpu.SemaphoreType.DMA] * 6,
    )
    def k(idx_hbm, dR_hbm, dT_hbm, out_hbm, idx_v, val_v, *sems):
        wid = lax.axis_index("s") * nc + lax.axis_index("c")
        base = wid * bpw
        pltpu.sync_copy(idx_hbm.at[pl.ds(base, bpw)], idx_v)
        copies = [[] for _ in range(6)]
        for r in range(rpw):
            isl = idx_v.at[pl.ds(r * _CH, _CH)]
            for c in range(3):
                win = pl.ds(c * n_images, n_images)
                copies[c].append(
                    pltpu.async_copy(dR_hbm.at[win].at[isl], val_v.at[c, r], sems[c])
                )
                copies[3 + c].append(
                    pltpu.async_copy(
                        dT_hbm.at[win].at[isl], val_v.at[3 + c, r], sems[3 + c]
                    )
                )
        for c in range(6):
            for cp in copies[c]:
                cp.wait()
            pltpu.sync_copy(val_v.at[c], out_hbm.at[c, wid])

    return k(img_idx, dR_flat, dT_flat)


def _tc_body(g_ref, p_ref, o_ref):
    x = g_ref[0]
    y = g_ref[1]
    z = g_ref[2]
    xx = x * x
    yy = y * y
    zz = z * z
    s = xx + yy + zz
    n = jnp.sqrt(s) + 1e-7
    a = jnp.sin(n) / n
    b = (1.0 - jnp.cos(n)) / (n * n)
    ax = a * x
    ay = a * y
    az = a * z
    bxy = b * x * y
    bxz = b * x * z
    byz = b * y * z
    r0 = (1.0 + b * (xx - s), bxy - az, bxz + ay)
    r1 = (bxy + az, 1.0 + b * (yy - s), byz - ax)
    r2 = (bxz - ay, byz + ax, 1.0 + b * (zz - s))
    p = [p_ref[k] for k in range(12)]
    for i, row in enumerate((r0, r1, r2)):
        for j in range(3):
            o_ref[i, :, j, :] = row[0] * p[j] + row[1] * p[4 + j] + row[2] * p[8 + j]
        o_ref[i, :, 3, :] = p[4 * i + 3] + g_ref[3 + i]


def kernel(img_idx, poses, dR_param, dT_param):
    B = img_idx.shape[0]
    assert B % _CH == 0
    rows = B // _CH
    g = _sc_gather(
        img_idx,
        dR_param.T.reshape(-1),
        dT_param.T.reshape(-1),
        dR_param.shape[0],
    )
    g = g.reshape(6, rows, _CH)
    pose_t = poses.reshape(B, 12).T.reshape(12, rows, _CH)
    out_t = pl.pallas_call(
        _tc_body,
        out_shape=jax.ShapeDtypeStruct((3, rows, 4, _CH), jnp.float32),
    )(g, pose_t)
    return out_t.transpose(1, 3, 0, 2).reshape(B, 3, 4)

# --- scband reference (transcript-rebuilt; emitter-appended) ---
"""Pipeline reference for scband-extr-pose-11948599017483 (READ-ONLY COPY).

The authoritative reference and input builder live on the scoring server;
editing this copy changes nothing except your own understanding.
"""

import jax, jax.numpy as jnp
import numpy as np

N_IMAGES = 100000
BATCH = 16384


def axisangle_to_R(v):
    # v: (B, 3)
    zero = jnp.zeros_like(v[:, :1])
    skew_v0 = jnp.concatenate([zero, -v[:, 2:3], v[:, 1:2]], axis=1)
    skew_v1 = jnp.concatenate([v[:, 2:3], zero, -v[:, 0:1]], axis=1)
    skew_v2 = jnp.concatenate([-v[:, 1:2], v[:, 0:1], zero], axis=1)
    skew_v = jnp.stack([skew_v0, skew_v1, skew_v2], axis=1)  # (B, 3, 3)
    norm_v = (jnp.linalg.norm(v, axis=1) + 1e-07)[:, None, None]
    eye = jnp.eye(3, dtype=v.dtype)
    R = eye + jnp.sin(norm_v) / norm_v * skew_v + (1 - jnp.cos(norm_v)) / norm_v ** 2 * (skew_v @ skew_v)
    return R


def setup_inputs(seed: int = 0) -> dict:
    key = jax.random.key(seed)
    k1, k2, k3, k4 = jax.random.split(key, 4)
    img_idx = jax.random.randint(k1, (BATCH,), 0, N_IMAGES, dtype=jnp.int64 if jax.config.jax_enable_x64 else jnp.int32).astype(jnp.int32)
    poses = jax.random.normal(k2, (BATCH, 3, 4), dtype=jnp.float32)
    # Learned pose-correction parameters (init'd to zeros in torch; use small randn so outputs are nontrivial)
    dR_param = jax.random.normal(k3, (N_IMAGES, 3), dtype=jnp.float32) * 0.01
    dT_param = jax.random.normal(k4, (N_IMAGES, 3), dtype=jnp.float32) * 0.01
    return {"img_idx": img_idx, "poses": poses, "dR_param": dR_param, "dT_param": dT_param}


def reference(img_idx, poses, dR_param, dT_param):
    # Embedding-style gather of per-image pose corrections
    dR_vec = jnp.take(dR_param, img_idx, axis=0)  # (B, 3)
    dT_vec = jnp.take(dT_param, img_idx, axis=0)  # (B, 3)
    dR = axisangle_to_R(dR_vec)                   # (B, 3, 3)
    rot = dR @ poses[..., :3]                     # (B, 3, 3)
    trans = poses[..., 3] + dT_vec                # (B, 3)
    new_poses = jnp.concatenate([rot, trans[..., None]], axis=-1)  # (B, 3, 4)
    return new_poses


if False:  # reference __main__ guard neutralized (emitter)
    out = reference(**setup_inputs())
    print(out.shape, out.dtype)

if __name__ == "__main__":
    import jax
    _d = setup_inputs()
    print(jax.jit(kernel)(*tuple(_d.values())))

</pallas_src>

<mosaic_0001>
#map = affine_map<(d0, d1) -> (0)>
#map1 = affine_map<(d0, d1) -> (0, 0, 0, 0)>
module attributes {stable_mosaic.version = 14 : i64} {
  func.func @k(%arg0: i32, %arg1: i32, %arg2: memref<16384xi32, #tpu.memory_space<hbm>>, %arg3: memref<300000xf32, #tpu.memory_space<hbm>>, %arg4: memref<300000xf32, #tpu.memory_space<hbm>>, %arg5: memref<6x32x4x128xf32, #tpu.memory_space<hbm>>, %arg6: memref<512xi32, #tpu.memory_space<vmem>>, %arg7: memref<6x4x128xf32, #tpu.memory_space<vmem>>, %arg8: memref<!tpu.dma_semaphore, #tpu.memory_space<semaphore_mem>>, %arg9: memref<!tpu.dma_semaphore, #tpu.memory_space<semaphore_mem>>, %arg10: memref<!tpu.dma_semaphore, #tpu.memory_space<semaphore_mem>>, %arg11: memref<!tpu.dma_semaphore, #tpu.memory_space<semaphore_mem>>, %arg12: memref<!tpu.dma_semaphore, #tpu.memory_space<semaphore_mem>>, %arg13: memref<!tpu.dma_semaphore, #tpu.memory_space<semaphore_mem>>) attributes {dimension_semantics = [#tpu.dimension_semantics<core_parallel>, #tpu.dimension_semantics<subcore_parallel>], iteration_bounds = array<i64: 2, 16>, scalar_prefetch = 0 : i64, scratch_operands = 8 : i64, tpu.core_type = #tpu.core_type<sc_vector_subcore>, window_params = [{transform_indices = #map}, {transform_indices = #map}, {transform_indices = #map}, {transform_indices = #map1}]} {
    %mul3A = arith.constant 2 : i32
    %mul3A_0 = arith.muli %arg1, %mul3A : i32
    %add3A = arith.addi %mul3A_0, %arg0 : i32
    %mul3A_1 = arith.constant 512 : i32
    %mul3A_2 = arith.muli %add3A, %mul3A_1 : i32
    "tpu.region"() ({
      %run_scoped3A_540 = tpu.sem_alloc : memref<!tpu.dma_semaphore, #tpu.memory_space<semaphore_mem>>
      %dma_start3A_541 = tpu.memref_slice %arg2[%mul3A_2] : memref<16384xi32, #tpu.memory_space<hbm>> -> memref<512xi32, #tpu.memory_space<hbm>>
      %dma_start3A_542 = tpu.memref_slice %arg2[%mul3A_2] : memref<16384xi32, #tpu.memory_space<hbm>> -> memref<512xi32, #tpu.memory_space<hbm>>
      tpu.enqueue_dma source(%dma_start3A_542 : memref<512xi32, #tpu.memory_space<hbm>>) target(%arg6 : memref<512xi32, #tpu.memory_space<vmem>>) target_semaphore(%run_scoped3A_540 : memref<!tpu.dma_semaphore, #tpu.memory_space<semaphore_mem>>)
      %dma_wait3A_543 = tpu.memref_slice %arg2[%mul3A_2] : memref<16384xi32, #tpu.memory_space<hbm>> -> memref<512xi32, #tpu.memory_space<hbm>>
      %dma_wait3A_544 = tpu.memref_slice %arg2[%mul3A_2] : memref<16384xi32, #tpu.memory_space<hbm>> -> memref<512xi32, #tpu.memory_space<hbm>>
      tpu.wait_dma2 semaphore(%run_scoped3A_540 : memref<!tpu.dma_semaphore, #tpu.memory_space<semaphore_mem>>) src(%dma_wait3A_544 : memref<512xi32, #tpu.memory_space<hbm>>) dst(%arg6 : memref<512xi32, #tpu.memory_space<vmem>>)
      tpu.yield
    }) : () -> ()
    %dma_start3A = arith.constant 0 : i32
    %dma_start3A_3 = arith.constant 0 : i32
    %dma_start3A_4 = arith.constant 0 : i32
    %dma_start3A_5 = tpu.memref_slice %arg7[%dma_start3A, %dma_start3A_3, %dma_start3A_4] : memref<6x4x128xf32, #tpu.memory_space<vmem>> -> memref<1x1x128xf32, #tpu.memory_space<vmem>>
    %dma_start3A_6 = tpu.memref_squeeze %dma_start3A_5 : memref<1x1x128xf32, #tpu.memory_space<vmem>> -> memref<128xf32, #tpu.memory_space<vmem>>
    %dma_start3A_7 = arith.constant 0 : i32
    %dma_start3A_8 = tpu.memref_slice %arg6[%dma_start3A_7] : memref<512xi32, #tpu.memory_space<vmem>> -> memref<128xi32, #tpu.memory_space<vmem>>
    %dma_start3A_9 = arith.constant 0 : i32
    %dma_start3A_10 = tpu.memref_slice %arg3[%dma_start3A_9] : memref<300000xf32, #tpu.memory_space<hbm>> -> memref<100000xf32, #tpu.memory_space<hbm>>
    %dma_start3A_11 = arith.constant 0 : i32
    %dma_start3A_12 = tpu.memref_slice %dma_start3A_10[%dma_start3A_11] : memref<100000xf32, #tpu.memory_space<hbm>> -> memref<100000xf32, #tpu.memory_space<hbm>>
    tpu.enqueue_indirect_dma source(%dma_start3A_12 : memref<100000xf32, #tpu.memory_space<hbm>>) target(%dma_start3A_6 : memref<128xf32, #tpu.memory_space<vmem>>) offsets(%dma_start3A_8 : memref<128xi32, #tpu.memory_space<vmem>>) semaphore(%arg8 : memref<!tpu.dma_semaphore, #tpu.memory_space<semaphore_mem>>)
    %dma_start3A_13 = arith.constant 3 : i32
    %dma_start3A_14 = arith.constant 0 : i32
    %dma_start3A_15 = arith.constant 0 : i32
    %dma_start3A_16 = tpu.memref_slice %arg7[%dma_start3A_13, %dma_start3A_14, %dma_start3A_15] : memref<6x4x128xf32, #tpu.memory_space<vmem>> -> memref<1x1x128xf32, #tpu.memory_space<vmem>>
    %dma_start3A_17 = tpu.memref_squeeze %dma_start3A_16 : memref<1x1x128xf32, #tpu.memory_space<vmem>> -> memref<128xf32, #tpu.memory_space<vmem>>
    %dma_start3A_18 = arith.constant 0 : i32
    %dma_start3A_19 = tpu.memref_slice %arg6[%dma_start3A_18] : memref<512xi32, #tpu.memory_space<vmem>> -> memref<128xi32, #tpu.memory_space<vmem>>
    %dma_start3A_20 = arith.constant 0 : i32
    %dma_start3A_21 = tpu.memref_slice %arg4[%dma_start3A_20] : memref<300000xf32, #tpu.memory_space<hbm>> -> memref<100000xf32, #tpu.memory_space<hbm>>
    %dma_start3A_22 = arith.constant 0 : i32
    %dma_start3A_23 = tpu.memref_slice %dma_start3A_21[%dma_start3A_22] : memref<100000xf32, #tpu.memory_space<hbm>> -> memref<100000xf32, #tpu.memory_space<hbm>>
    tpu.enqueue_indirect_dma source(%dma_start3A_23 : memref<100000xf32, #tpu.memory_space<hbm>>) target(%dma_start3A_17 : memref<128xf32, #tpu.memory_space<vmem>>) offsets(%dma_start3A_19 : memref<128xi32, #tpu.memory_space<vmem>>) semaphore(%arg11 : memref<!tpu.dma_semaphore, #tpu.memory_space<semaphore_mem>>)
    %dma_start3A_24 = arith.constant 1 : i32
    %dma_start3A_25 = arith.constant 0 : i32
    %dma_start3A_26 = arith.constant 0 : i32
    %dma_start3A_27 = tpu.memref_slice %arg7[%dma_start3A_24, %dma_start3A_25, %dma_start3A_26] : memref<6x4x128xf32, #tpu.memory_space<vmem>> -> memref<1x1x128xf32, #tpu.memory_space<vmem>>
    %dma_start3A_28 = tpu.memref_squeeze %dma_start3A_27 : memref<1x1x128xf32, #tpu.memory_space<vmem>> -> memref<128xf32, #tpu.memory_space<vmem>>
    %dma_start3A_29 = arith.constant 0 : i32
    %dma_start3A_30 = tpu.memref_slice %arg6[%dma_start3A_29] : memref<512xi32, #tpu.memory_space<vmem>> -> memref<128xi32, #tpu.memory_space<vmem>>
    %dma_start3A_31 = arith.constant 100000 : i32
    %dma_start3A_32 = tpu.memref_slice %arg3[%dma_start3A_31] : memref<300000xf32, #tpu.memory_space<hbm>> -> memref<100000xf32, #tpu.memory_space<hbm>>
    %dma_start3A_33 = arith.constant 0 : i32
    %dma_start3A_34 = tpu.memref_slice %dma_start3A_32[%dma_start3A_33] : memref<100000xf32, #tpu.memory_space<hbm>> -> memref<100000xf32, #tpu.memory_space<hbm>>
    tpu.enqueue_indirect_dma source(%dma_start3A_34 : memref<100000xf32, #tpu.memory_space<hbm>>) target(%dma_start3A_28 : memref<128xf32, #tpu.memory_space<vmem>>) offsets(%dma_start3A_30 : memref<128xi32, #tpu.memory_space<vmem>>) semaphore(%arg9 : memref<!tpu.dma_semaphore, #tpu.memory_space<semaphore_mem>>)
    %dma_start3A_35 = arith.constant 4 : i32
    %dma_start3A_36 = arith.constant 0 : i32
    %dma_start3A_37 = arith.constant 0 : i32
    %dma_start3A_38 = tpu.memref_slice %arg7[%dma_start3A_35, %dma_start3A_36, %dma_start3A_37] : memref<6x4x128xf32, #tpu.memory_space<vmem>> -> memref<1x1x128xf32, #tpu.memory_space<vmem>>
    %dma_start3A_39 = tpu.memref_squeeze %dma_start3A_38 : memref<1x1x128xf32, #tpu.memory_space<vmem>> -> memref<128xf32, #tpu.memory_space<vmem>>
    %dma_start3A_40 = arith.constant 0 : i32
    %dma_start3A_41 = tpu.memref_slice %arg6[%dma_start3A_40] : memref<512xi32, #tpu.memory_space<vmem>> -> memref<128xi32, #tpu.memory_space<vmem>>
    %dma_start3A_42 = arith.constant 100000 : i32
    %dma_start3A_43 = tpu.memref_slice %arg4[%dma_start3A_42] : memref<300000xf32, #tpu.memory_space<hbm>> -> memref<100000xf32, #tpu.memory_space<hbm>>
    %dma_start3A_44 = arith.constant 0 : i32
    %dma_start3A_45 = tpu.memref_slice %dma_start3A_43[%dma_start3A_44] : memref<100000xf32, #tpu.memory_space<hbm>> -> memref<100000xf32, #tpu.memory_space<hbm>>
    tpu.enqueue_indirect_dma source(%dma_start3A_45 : memref<100000xf32, #tpu.memory_space<hbm>>) target(%dma_start3A_39 : memref<128xf32, #tpu.memory_space<vmem>>) offsets(%dma_start3A_41 : memref<128xi32, #tpu.memory_space<vmem>>) semaphore(%arg12 : memref<!tpu.dma_semaphore, #tpu.memory_space<semaphore_mem>>)
    %dma_start3A_46 = arith.constant 2 : i32
    %dma_start3A_47 = arith.constant 0 : i32
    %dma_start3A_48 = arith.constant 0 : i32
    %dma_start3A_49 = tpu.memref_slice %arg7[%dma_start3A_46, %dma_start3A_47, %dma_start3A_48] : memref<6x4x128xf32, #tpu.memory_space<vmem>> -> memref<1x1x128xf32, #tpu.memory_space<vmem>>
    %dma_start3A_50 = tpu.memref_squeeze %dma_start3A_49 : memref<1x1x128xf32, #tpu.memory_space<vmem>> -> memref<128xf32, #tpu.memory_space<vmem>>
    %dma_start3A_51 = arith.constant 0 : i32
    %dma_start3A_52 = tpu.memref_slice %arg6[%dma_start3A_51] : memref<512xi32, #tpu.memory_space<vmem>> -> memref<128xi32, #tpu.memory_space<vmem>>
    %dma_start3A_53 = arith.constant 200000 : i32
    %dma_start3A_54 = tpu.memref_slice %arg3[%dma_start3A_53] : memref<300000xf32, #tpu.memory_space<hbm>> -> memref<100000xf32, #tpu.memory_space<hbm>>
    %dma_start3A_55 = arith.constant 0 : i32
    %dma_start3A_56 = tpu.memref_slice %dma_start3A_54[%dma_start3A_55] : memref<100000xf32, #tpu.memory_space<hbm>> -> memref<100000xf32, #tpu.memory_space<hbm>>
    tpu.enqueue_indirect_dma source(%dma_start3A_56 : memref<100000xf32, #tpu.memory_space<hbm>>) target(%dma_start3A_50 : memref<128xf32, #tpu.memory_space<vmem>>) offsets(%dma_start3A_52 : memref<128xi32, #tpu.memory_space<vmem>>) semaphore(%arg10 : memref<!tpu.dma_semaphore, #tpu.memory_space<semaphore_mem>>)
    %dma_start3A_57 = arith.constant 5 : i32
    %dma_start3A_58 = arith.constant 0 : i32
    %dma_start3A_59 = arith.constant 0 : i32
    %dma_start3A_60 = tpu.memref_slice %arg7[%dma_start3A_57, %dma_start3A_58, %dma_start3A_59] : memref<6x4x128xf32, #tpu.memory_space<vmem>> -> memref<1x1x128xf32, #tpu.memory_space<vmem>>
    %dma_start3A_61 = tpu.memref_squeeze %dma_start3A_60 : memref<1x1x128xf32, #tpu.memory_space<vmem>> -> memref<128xf32, #tpu.memory_space<vmem>>
    %dma_start3A_62 = arith.constant 0 : i32
    %dma_start3A_63 = tpu.memref_slice %arg6[%dma_start3A_62] : memref<512xi32, #tpu.memory_space<vmem>> -> memref<128xi32, #tpu.memory_space<vmem>>
    %dma_start3A_64 = arith.constant 200000 : i32
    %dma_start3A_65 = tpu.memref_slice %arg4[%dma_start3A_64] : memref<300000xf32, #tpu.memory_space<hbm>> -> memref<100000xf32, #tpu.memory_space<hbm>>
    %dma_start3A_66 = arith.constant 0 : i32
    %dma_start3A_67 = tpu.memref_slice %dma_start3A_65[%dma_start3A_66] : memref<100000xf32, #tpu.memory_space<hbm>> -> memref<100000xf32, #tpu.memory_space<hbm>>
    tpu.enqueue_indirect_dma source(%dma_start3A_67 : memref<100000xf32, #tpu.memory_space<hbm>>) target(%dma_start3A_61 : memref<128xf32, #tpu.memory_space<vmem>>) offsets(%dma_start3A_63 : memref<128xi32, #tpu.memory_space<vmem>>) semaphore(%arg13 : memref<!tpu.dma_semaphore, #tpu.memory_space<semaphore_mem>>)
    %dma_start3A_68 = arith.constant 0 : i32
    %dma_start3A_69 = arith.constant 1 : i32
    %dma_start3A_70 = arith.constant 0 : i32
    %dma_start3A_71 = tpu.memref_slice %arg7[%dma_start3A_68, %dma_start3A_69, %dma_start3A_70] : memref<6x4x128xf32, #tpu.memory_space<vmem>> -> memref<1x1x128xf32, #tpu.memory_space<vmem>>
    %dma_start3A_72 = tpu.memref_squeeze %dma_start3A_71 : memref<1x1x128xf32, #tpu.memory_space<vmem>> -> memref<128xf32, #tpu.memory_space<vmem>>
    %dma_start3A_73 = arith.constant 128 : i32
    %dma_start3A_74 = tpu.memref_slice %arg6[%dma_start3A_73] : memref<512xi32, #tpu.memory_space<vmem>> -> memref<128xi32, #tpu.memory_space<vmem>>
    %dma_start3A_75 = arith.constant 0 : i32
    %dma_start3A_76 = tpu.memref_slice %arg3[%dma_start3A_75] : memref<300000xf32, #tpu.memory_space<hbm>> -> memref<100000xf32, #tpu.memory_space<hbm>>
    %dma_start3A_77 = arith.constant 0 : i32
    %dma_start3A_78 = tpu.memref_slice %dma_start3A_76[%dma_start3A_77] : memref<100000xf32, #tpu.memory_space<hbm>> -> memref<100000xf32, #tpu.memory_space<hbm>>
    tpu.enqueue_indirect_dma source(%dma_start3A_78 : memref<100000xf32, #tpu.memory_space<hbm>>) target(%dma_start3A_72 : memref<128xf32, #tpu.memory_space<vmem>>) offsets(%dma_start3A_74 : memref<128xi32, #tpu.memory_space<vmem>>) semaphore(%arg8 : memref<!tpu.dma_semaphore, #tpu.memory_space<semaphore_mem>>)
    %dma_start3A_79 = arith.constant 3 : i32
    %dma_start3A_80 = arith.constant 1 : i32
    %dma_start3A_81 = arith.constant 0 : i32
    %dma_start3A_82 = tpu.memref_slice %arg7[%dma_start3A_79, %dma_start3A_80, %dma_start3A_81] : memref<6x4x128xf32, #tpu.memory_space<vmem>> -> memref<1x1x128xf32, #tpu.memory_space<vmem>>
    %dma_start3A_83 = tpu.memref_squeeze %dma_start3A_82 : memref<1x1x128xf32, #tpu.memory_space<vmem>> -> memref<128xf32, #tpu.memory_space<vmem>>
    %dma_start3A_84 = arith.constant 128 : i32
    %dma_start3A_85 = tpu.memref_slice %arg6[%dma_start3A_84] : memref<512xi32, #tpu.memory_space<vmem>> -> memref<128xi32, #tpu.memory_space<vmem>>
    %dma_start3A_86 = arith.constant 0 : i32
    %dma_start3A_87 = tpu.memref_slice %arg4[%dma_start3A_86] : memref<300000xf32, #tpu.memory_space<hbm>> -> memref<100000xf32, #tpu.memory_space<hbm>>
    %dma_start3A_88 = arith.constant 0 : i32
    %dma_start3A_89 = tpu.memref_slice %dma_start3A_87[%dma_start3A_88] : memref<100000xf32, #tpu.memory_space<hbm>> -> memref<100000xf32, #tpu.memory_space<hbm>>
    tpu.enqueue_indirect_dma source(%dma_start3A_89 : memref<100000xf32, #tpu.memory_space<hbm>>) target(%dma_start3A_83 : memref<128xf32, #tpu.memory_space<vmem>>) offsets(%dma_start3A_85 : memref<128xi32, #tpu.memory_space<vmem>>) semaphore(%arg11 : memref<!tpu.dma_semaphore, #tpu.memory_space<semaphore_mem>>)
    %dma_start3A_90 = arith.constant 1 : i32
    %dma_start3A_91 = arith.constant 1 : i32
    %dma_start3A_92 = arith.constant 0 : i32
    %dma_start3A_93 = tpu.memref_slice %arg7[%dma_start3A_90, %dma_start3A_91, %dma_start3A_92] : memref<6x4x128xf32, #tpu.memory_space<vmem>> -> memref<1x1x128xf32, #tpu.memory_space<vmem>>
    %dma_start3A_94 = tpu.memref_squeeze %dma_start3A_93 : memref<1x1x128xf32, #tpu.memory_space<vmem>> -> memref<128xf32, #tpu.memory_space<vmem>>
    %dma_start3A_95 = arith.constant 128 : i32
    %dma_start3A_96 = tpu.memref_slice %arg6[%dma_start3A_95] : memref<512xi32, #tpu.memory_space<vmem>> -> memref<128xi32, #tpu.memory_space<vmem>>
    %dma_start3A_97 = arith.constant 100000 : i32
    %dma_start3A_98 = tpu.memref_slice %arg3[%dma_start3A_97] : memref<300000xf32, #tpu.memory_space<hbm>> -> memref<100000xf32, #tpu.memory_space<hbm>>
    %dma_start3A_99 = arith.constant 0 : i32
    %dma_start3A_100 = tpu.memref_slice %dma_start3A_98[%dma_start3A_99] : memref<100000xf32, #tpu.memory_space<hbm>> -> memref<100000xf32, #tpu.memory_space<hbm>>
    tpu.enqueue_indirect_dma source(%dma_start3A_100 : memref<100000xf32, #tpu.memory_space<hbm>>) target(%dma_start3A_94 : memref<128xf32, #tpu.memory_space<vmem>>) offsets(%dma_start3A_96 : memref<128xi32, #tpu.memory_space<vmem>>) semaphore(%arg9 : memref<!tpu.dma_semaphore, #tpu.memory_space<semaphore_mem>>)
    %dma_start3A_101 = arith.constant 4 : i32
    %dma_start3A_102 = arith.constant 1 : i32
    %dma_start3A_103 = arith.constant 0 : i32
    %dma_start3A_104 = tpu.memref_slice %arg7[%dma_start3A_101, %dma_start3A_102, %dma_start3A_103] : memref<6x4x128xf32, #tpu.memory_space<vmem>> -> memref<1x1x128xf32, #tpu.memory_space<vmem>>
    %dma_start3A_105 = tpu.memref_squeeze %dma_start3A_104 : memref<1x1x128xf32, #tpu.memory_space<vmem>> -> memref<128xf32, #tpu.memory_space<vmem>>
    %dma_start3A_106 = arith.constant 128 : i32
    %dma_start3A_107 = tpu.memref_slice %arg6[%dma_start3A_106] : memref<512xi32, #tpu.memory_space<vmem>> -> memref<128xi32, #tpu.memory_space<vmem>>
    %dma_start3A_108 = arith.constant 100000 : i32
    %dma_start3A_109 = tpu.memref_slice %arg4[%dma_start3A_108] : memref<300000xf32, #tpu.memory_space<hbm>> -> memref<100000xf32, #tpu.memory_space<hbm>>
    %dma_start3A_110 = arith.constant 0 : i32
    %dma_start3A_111 = tpu.memref_slice %dma_start3A_109[%dma_start3A_110] : memref<100000xf32, #tpu.memory_space<hbm>> -> memref<100000xf32, #tpu.memory_space<hbm>>
    tpu.enqueue_indirect_dma source(%dma_start3A_111 : memref<100000xf32, #tpu.memory_space<hbm>>) target(%dma_start3A_105 : memref<128xf32, #tpu.memory_space<vmem>>) offsets(%dma_start3A_107 : memref<128xi32, #tpu.memory_space<vmem>>) semaphore(%arg12 : memref<!tpu.dma_semaphore, #tpu.memory_space<semaphore_mem>>)
    %dma_start3A_112 = arith.constant 2 : i32
    %dma_start3A_113 = arith.constant 1 : i32
    %dma_start3A_114 = arith.constant 0 : i32
    %dma_start3A_115 = tpu.memref_slice %arg7[%dma_start3A_112, %dma_start3A_113, %dma_start3A_114] : memref<6x4x128xf32, #tpu.memory_space<vmem>> -> memref<1x1x128xf32, #tpu.memory_space<vmem>>
    %dma_start3A_116 = tpu.memref_squeeze %dma_start3A_115 : memref<1x1x128xf32, #tpu.memory_space<vmem>> -> memref<128xf32, #tpu.memory_space<vmem>>
    %dma_start3A_117 = arith.constant 128 : i32
    %dma_start3A_118 = tpu.memref_slice %arg6[%dma_start3A_117] : memref<512xi32, #tpu.memory_space<vmem>> -> memref<128xi32, #tpu.memory_space<vmem>>
    %dma_start3A_119 = arith.constant 200000 : i32
    %dma_start3A_120 = tpu.memref_slice %arg3[%dma_start3A_119] : memref<300000xf32, #tpu.memory_space<hbm>> -> memref<100000xf32, #tpu.memory_space<hbm>>
    %dma_start3A_121 = arith.constant 0 : i32
    %dma_start3A_122 = tpu.memref_slice %dma_start3A_120[%dma_start3A_121] : memref<100000xf32, #tpu.memory_space<hbm>> -> memref<100000xf32, #tpu.memory_space<hbm>>
    tpu.enqueue_indirect_dma source(%dma_start3A_122 : memref<100000xf32, #tpu.memory_space<hbm>>) target(%dma_start3A_116 : memref<128xf32, #tpu.memory_space<vmem>>) offsets(%dma_start3A_118 : memref<128xi32, #tpu.memory_space<vmem>>) semaphore(%arg10 : memref<!tpu.dma_semaphore, #tpu.memory_space<semaphore_mem>>)
    %dma_start3A_123 = arith.constant 5 : i32
    %dma_start3A_124 = arith.constant 1 : i32
    %dma_start3A_125 = arith.constant 0 : i32
    %dma_start3A_126 = tpu.memref_slice %arg7[%dma_start3A_123, %dma_start3A_124, %dma_start3A_125] : memref<6x4x128xf32, #tpu.memory_space<vmem>> -> memref<1x1x128xf32, #tpu.memory_space<vmem>>
    %dma_start3A_127 = tpu.memref_squeeze %dma_start3A_126 : memref<1x1x128xf32, #tpu.memory_space<vmem>> -> memref<128xf32, #tpu.memory_space<vmem>>
    %dma_start3A_128 = arith.constant 128 : i32
    %dma_start3A_129 = tpu.memref_slice %arg6[%dma_start3A_128] : memref<512xi32, #tpu.memory_space<vmem>> -> memref<128xi32, #tpu.memory_space<vmem>>
    %dma_start3A_130 = arith.constant 200000 : i32
    %dma_start3A_131 = tpu.memref_slice %arg4[%dma_start3A_130] : memref<300000xf32, #tpu.memory_space<hbm>> -> memref<100000xf32, #tpu.memory_space<hbm>>
    %dma_start3A_132 = arith.constant 0 : i32
    %dma_start3A_133 = tpu.memref_slice %dma_start3A_131[%dma_start3A_132] : memref<100000xf32, #tpu.memory_space<hbm>> -> memref<100000xf32, #tpu.memory_space<hbm>>
    tpu.enqueue_indirect_dma source(%dma_start3A_133 : memref<100000xf32, #tpu.memory_space<hbm>>) target(%dma_start3A_127 : memref<128xf32, #tpu.memory_space<vmem>>) offsets(%dma_start3A_129 : memref<128xi32, #tpu.memory_space<vmem>>) semaphore(%arg13 : memref<!tpu.dma_semaphore, #tpu.memory_space<semaphore_mem>>)
    %dma_start3A_134 = arith.constant 0 : i32
    %dma_start3A_135 = arith.constant 2 : i32
    %dma_start3A_136 = arith.constant 0 : i32
    %dma_start3A_137 = tpu.memref_slice %arg7[%dma_start3A_134, %dma_start3A_135, %dma_start3A_136] : memref<6x4x128xf32, #tpu.memory_space<vmem>> -> memref<1x1x128xf32, #tpu.memory_space<vmem>>
    %dma_start3A_138 = tpu.memref_squeeze %dma_start3A_137 : memref<1x1x128xf32, #tpu.memory_space<vmem>> -> memref<128xf32, #tpu.memory_space<vmem>>
    %dma_start3A_139 = arith.constant 256 : i32
    %dma_start3A_140 = tpu.memref_slice %arg6[%dma_start3A_139] : memref<512xi32, #tpu.memory_space<vmem>> -> memref<128xi32, #tpu.memory_space<vmem>>
    %dma_start3A_141 = arith.constant 0 : i32
    %dma_start3A_142 = tpu.memref_slice %arg3[%dma_start3A_141] : memref<300000xf32, #tpu.memory_space<hbm>> -> memref<100000xf32, #tpu.memory_space<hbm>>
    %dma_start3A_143 = arith.constant 0 : i32
    %dma_start3A_144 = tpu.memref_slice %dma_start3A_142[%dma_start3A_143] : memref<100000xf32, #tpu.memory_space<hbm>> -> memref<100000xf32, #tpu.memory_space<hbm>>
    tpu.enqueue_indirect_dma source(%dma_start3A_144 : memref<100000xf32, #tpu.memory_space<hbm>>) target(%dma_start3A_138 : memref<128xf32, #tpu.memory_space<vmem>>) offsets(%dma_start3A_140 : memref<128xi32, #tpu.memory_space<vmem>>) semaphore(%arg8 : memref<!tpu.dma_semaphore, #tpu.memory_space<semaphore_mem>>)
    %dma_start3A_145 = arith.constant 3 : i32
    %dma_start3A_146 = arith.constant 2 : i32
    %dma_start3A_147 = arith.constant 0 : i32
    %dma_start3A_148 = tpu.memref_slice %arg7[%dma_start3A_145, %dma_start3A_146, %dma_start3A_147] : memref<6x4x128xf32, #tpu.memory_space<vmem>> -> memref<1x1x128xf32, #tpu.memory_space<vmem>>
    %dma_start3A_149 = tpu.memref_squeeze %dma_start3A_148 : memref<1x1x128xf32, #tpu.memory_space<vmem>> -> memref<128xf32, #tpu.memory_space<vmem>>
    %dma_start3A_150 = arith.constant 256 : i32
    %dma_start3A_151 = tpu.memref_slice %arg6[%dma_start3A_150] : memref<512xi32, #tpu.memory_space<vmem>> -> memref<128xi32, #tpu.memory_space<vmem>>
    %dma_start3A_152 = arith.constant 0 : i32
    %dma_start3A_153 = tpu.memref_slice %arg4[%dma_start3A_152] : memref<300000xf32, #tpu.memory_space<hbm>> -> memref<100000xf32, #tpu.memory_space<hbm>>
    %dma_start3A_154 = arith.constant 0 : i32
    %dma_start3A_155 = tpu.memref_slice %dma_start3A_153[%dma_start3A_154] : memref<100000xf32, #tpu.memory_space<hbm>> -> memref<100000xf32, #tpu.memory_space<hbm>>
    tpu.enqueue_indirect_dma source(%dma_start3A_155 : memref<100000xf32, #tpu.memory_space<hbm>>) target(%dma_start3A_149 : memref<128xf32, #tpu.memory_space<vmem>>) offsets(%dma_start3A_151 : memref<128xi32, #tpu.memory_space<vmem>>) semaphore(%arg11 : memref<!tpu.dma_semaphore, #tpu.memory_space<semaphore_mem>>)
    %dma_start3A_156 = arith.constant 1 : i32
    %dma_start3A_157 = arith.constant 2 : i32
    %dma_start3A_158 = arith.constant 0 : i32
    %dma_start3A_159 = tpu.memref_slice %arg7[%dma_start3A_156, %dma_start3A_157, %dma_start3A_158] : memref<6x4x128xf32, #tpu.memory_space<vmem>> -> memref<1x1x128xf32, #tpu.memory_space<vmem>>
    %dma_start3A_160 = tpu.memref_squeeze %dma_start3A_159 : memref<1x1x128xf32, #tpu.memory_space<vmem>> -> memref<128xf32, #tpu.memory_space<vmem>>
    %dma_start3A_161 = arith.constant 256 : i32
    %dma_start3A_162 = tpu.memref_slice %arg6[%dma_start3A_161] : memref<512xi32, #tpu.memory_space<vmem>> -> memref<128xi32, #tpu.memory_space<vmem>>
    %dma_start3A_163 = arith.constant 100000 : i32
    %dma_start3A_164 = tpu.memref_slice %arg3[%dma_start3A_163] : memref<300000xf32, #tpu.memory_space<hbm>> -> memref<100000xf32, #tpu.memory_space<hbm>>
    %dma_start3A_165 = arith.constant 0 : i32
    %dma_start3A_166 = tpu.memref_slice %dma_start3A_164[%dma_start3A_165] : memref<100000xf32, #tpu.memory_space<hbm>> -> memref<100000xf32, #tpu.memory_space<hbm>>
    tpu.enqueue_indirect_dma source(%dma_start3A_166 : memref<100000xf32, #tpu.memory_space<hbm>>) target(%dma_start3A_160 : memref<128xf32, #tpu.memory_space<vmem>>) offsets(%dma_start3A_162 : memref<128xi32, #tpu.memory_space<vmem>>) semaphore(%arg9 : memref<!tpu.dma_semaphore, #tpu.memory_space<semaphore_mem>>)
    %dma_start3A_167 = arith.constant 4 : i32
    %dma_start3A_168 = arith.constant 2 : i32
    %dma_start3A_169 = arith.constant 0 : i32
    %dma_start3A_170 = tpu.memref_slice %arg7[%dma_start3A_167, %dma_start3A_168, %dma_start3A_169] : memref<6x4x128xf32, #tpu.memory_space<vmem>> -> memref<1x1x128xf32, #tpu.memory_space<vmem>>
    %dma_start3A_171 = tpu.memref_squeeze %dma_start3A_170 : memref<1x1x128xf32, #tpu.memory_space<vmem>> -> memref<128xf32, #tpu.memory_space<vmem>>
    %dma_start3A_172 = arith.constant 256 : i32
    %dma_start3A_173 = tpu.memref_slice %arg6[%dma_start3A_172] : memref<512xi32, #tpu.memory_space<vmem>> -> memref<128xi32, #tpu.memory_space<vmem>>
    %dma_start3A_174 = arith.constant 100000 : i32
    %dma_start3A_175 = tpu.memref_slice %arg4[%dma_start3A_174] : memref<300000xf32, #tpu.memory_space<hbm>> -> memref<100000xf32, #tpu.memory_space<hbm>>
    %dma_start3A_176 = arith.constant 0 : i32
    %dma_start3A_177 = tpu.memref_slice %dma_start3A_175[%dma_start3A_176] : memref<100000xf32, #tpu.memory_space<hbm>> -> memref<100000xf32, #tpu.memory_space<hbm>>
    tpu.enqueue_indirect_dma source(%dma_start3A_177 : memref<100000xf32, #tpu.memory_space<hbm>>) target(%dma_start3A_171 : memref<128xf32, #tpu.memory_space<vmem>>) offsets(%dma_start3A_173 : memref<128xi32, #tpu.memory_space<vmem>>) semaphore(%arg12 : memref<!tpu.dma_semaphore, #tpu.memory_space<semaphore_mem>>)
    %dma_start3A_178 = arith.constant 2 : i32
    %dma_start3A_179 = arith.constant 2 : i32
    %dma_start3A_180 = arith.constant 0 : i32
    %dma_start3A_181 = tpu.memref_slice %arg7[%dma_start3A_178, %dma_start3A_179, %dma_start3A_180] : memref<6x4x128xf32, #tpu.memory_space<vmem>> -> memref<1x1x128xf32, #tpu.memory_space<vmem>>
    %dma_start3A_182 = tpu.memref_squeeze %dma_start3A_181 : memref<1x1x128xf32, #tpu.memory_space<vmem>> -> memref<128xf32, #tpu.memory_space<vmem>>
    %dma_start3A_183 = arith.constant 256 : i32
    %dma_start3A_184 = tpu.memref_slice %arg6[%dma_start3A_183] : memref<512xi32, #tpu.memory_space<vmem>> -> memref<128xi32, #tpu.memory_space<vmem>>
    %dma_start3A_185 = arith.constant 200000 : i32
    %dma_start3A_186 = tpu.memref_slice %arg3[%dma_start3A_185] : memref<300000xf32, #tpu.memory_space<hbm>> -> memref<100000xf32, #tpu.memory_space<hbm>>
    %dma_start3A_187 = arith.constant 0 : i32
    %dma_start3A_188 = tpu.memref_slice %dma_start3A_186[%dma_start3A_187] : memref<100000xf32, #tpu.memory_space<hbm>> -> memref<100000xf32, #tpu.memory_space<hbm>>
    tpu.enqueue_indirect_dma source(%dma_start3A_188 : memref<100000xf32, #tpu.memory_space<hbm>>) target(%dma_start3A_182 : memref<128xf32, #tpu.memory_space<vmem>>) offsets(%dma_start3A_184 : memref<128xi32, #tpu.memory_space<vmem>>) semaphore(%arg10 : memref<!tpu.dma_semaphore, #tpu.memory_space<semaphore_mem>>)
    %dma_start3A_189 = arith.constant 5 : i32
    %dma_start3A_190 = arith.constant 2 : i32
    %dma_start3A_191 = arith.constant 0 : i32
    %dma_start3A_192 = tpu.memref_slice %arg7[%dma_start3A_189, %dma_start3A_190, %dma_start3A_191] : memref<6x4x128xf32, #tpu.memory_space<vmem>> -> memref<1x1x128xf32, #tpu.memory_space<vmem>>
    %dma_start3A_193 = tpu.memref_squeeze %dma_start3A_192 : memref<1x1x128xf32, #tpu.memory_space<vmem>> -> memref<128xf32, #tpu.memory_space<vmem>>
    %dma_start3A_194 = arith.constant 256 : i32
    %dma_start3A_195 = tpu.memref_slice %arg6[%dma_start3A_194] : memref<512xi32, #tpu.memory_space<vmem>> -> memref<128xi32, #tpu.memory_space<vmem>>
    %dma_start3A_196 = arith.constant 200000 : i32
    %dma_start3A_197 = tpu.memref_slice %arg4[%dma_start3A_196] : memref<300000xf32, #tpu.memory_space<hbm>> -> memref<100000xf32, #tpu.memory_space<hbm>>
    %dma_start3A_198 = arith.constant 0 : i32
    %dma_start3A_199 = tpu.memref_slice %dma_start3A_197[%dma_start3A_198] : memref<100000xf32, #tpu.memory_space<hbm>> -> memref<100000xf32, #tpu.memory_space<hbm>>
    tpu.enqueue_indirect_dma source(%dma_start3A_199 : memref<100000xf32, #tpu.memory_space<hbm>>) target(%dma_start3A_193 : memref<128xf32, #tpu.memory_space<vmem>>) offsets(%dma_start3A_195 : memref<128xi32, #tpu.memory_space<vmem>>) semaphore(%arg13 : memref<!tpu.dma_semaphore, #tpu.memory_space<semaphore_mem>>)
    %dma_start3A_200 = arith.constant 0 : i32
    %dma_start3A_201 = arith.constant 3 : i32
    %dma_start3A_202 = arith.constant 0 : i32
    %dma_start3A_203 = tpu.memref_slice %arg7[%dma_start3A_200, %dma_start3A_201, %dma_start3A_202] : memref<6x4x128xf32, #tpu.memory_space<vmem>> -> memref<1x1x128xf32, #tpu.memory_space<vmem>>
    %dma_start3A_204 = tpu.memref_squeeze %dma_start3A_203 : memref<1x1x128xf32, #tpu.memory_space<vmem>> -> memref<128xf32, #tpu.memory_space<vmem>>
    %dma_start3A_205 = arith.constant 384 : i32
    %dma_start3A_206 = tpu.memref_slice %arg6[%dma_start3A_205] : memref<512xi32, #tpu.memory_space<vmem>> -> memref<128xi32, #tpu.memory_space<vmem>>
    %dma_start3A_207 = arith.constant 0 : i32
    %dma_start3A_208 = tpu.memref_slice %arg3[%dma_start3A_207] : memref<300000xf32, #tpu.memory_space<hbm>> -> memref<100000xf32, #tpu.memory_space<hbm>>
    %dma_start3A_209 = arith.constant 0 : i32
    %dma_start3A_210 = tpu.memref_slice %dma_start3A_208[%dma_start3A_209] : memref<100000xf32, #tpu.memory_space<hbm>> -> memref<100000xf32, #tpu.memory_space<hbm>>
    tpu.enqueue_indirect_dma source(%dma_start3A_210 : memref<100000xf32, #tpu.memory_space<hbm>>) target(%dma_start3A_204 : memref<128xf32, #tpu.memory_space<vmem>>) offsets(%dma_start3A_206 : memref<128xi32, #tpu.memory_space<vmem>>) semaphore(%arg8 : memref<!tpu.dma_semaphore, #tpu.memory_space<semaphore_mem>>)
    %dma_start3A_211 = arith.constant 3 : i32
    %dma_start3A_212 = arith.constant 3 : i32
    %dma_start3A_213 = arith.constant 0 : i32
    %dma_start3A_214 = tpu.memref_slice %arg7[%dma_start3A_211, %dma_start3A_212, %dma_start3A_213] : memref<6x4x128xf32, #tpu.memory_space<vmem>> -> memref<1x1x128xf32, #tpu.memory_space<vmem>>
    %dma_start3A_215 = tpu.memref_squeeze %dma_start3A_214 : memref<1x1x128xf32, #tpu.memory_space<vmem>> -> memref<128xf32, #tpu.memory_space<vmem>>
    %dma_start3A_216 = arith.constant 384 : i32
    %dma_start3A_217 = tpu.memref_slice %arg6[%dma_start3A_216] : memref<512xi32, #tpu.memory_space<vmem>> -> memref<128xi32, #tpu.memory_space<vmem>>
    %dma_start3A_218 = arith.constant 0 : i32
    %dma_start3A_219 = tpu.memref_slice %arg4[%dma_start3A_218] : memref<300000xf32, #tpu.memory_space<hbm>> -> memref<100000xf32, #tpu.memory_space<hbm>>
    %dma_start3A_220 = arith.constant 0 : i32
    %dma_start3A_221 = tpu.memref_slice %dma_start3A_219[%dma_start3A_220] : memref<100000xf32, #tpu.memory_space<hbm>> -> memref<100000xf32, #tpu.memory_space<hbm>>
    tpu.enqueue_indirect_dma source(%dma_start3A_221 : memref<100000xf32, #tpu.memory_space<hbm>>) target(%dma_start3A_215 : memref<128xf32, #tpu.memory_space<vmem>>) offsets(%dma_start3A_217 : memref<128xi32, #tpu.memory_space<vmem>>) semaphore(%arg11 : memref<!tpu.dma_semaphore, #tpu.memory_space<semaphore_mem>>)
    %dma_start3A_222 = arith.constant 1 : i32
    %dma_start3A_223 = arith.constant 3 : i32
    %dma_start3A_224 = arith.constant 0 : i32
    %dma_start3A_225 = tpu.memref_slice %arg7[%dma_start3A_222, %dma_start3A_223, %dma_start3A_224] : memref<6x4x128xf32, #tpu.memory_space<vmem>> -> memref<1x1x128xf32, #tpu.memory_space<vmem>>
    %dma_start3A_226 = tpu.memref_squeeze %dma_start3A_225 : memref<1x1x128xf32, #tpu.memory_space<vmem>> -> memref<128xf32, #tpu.memory_space<vmem>>
    %dma_start3A_227 = arith.constant 384 : i32
    %dma_start3A_228 = tpu.memref_slice %arg6[%dma_start3A_227] : memref<512xi32, #tpu.memory_space<vmem>> -> memref<128xi32, #tpu.memory_space<vmem>>
    %dma_start3A_229 = arith.constant 100000 : i32
    %dma_start3A_230 = tpu.memref_slice %arg3[%dma_start3A_229] : memref<300000xf32, #tpu.memory_space<hbm>> -> memref<100000xf32, #tpu.memory_space<hbm>>
    %dma_start3A_231 = arith.constant 0 : i32
    %dma_start3A_232 = tpu.memref_slice %dma_start3A_230[%dma_start3A_231] : memref<100000xf32, #tpu.memory_space<hbm>> -> memref<100000xf32, #tpu.memory_space<hbm>>
    tpu.enqueue_indirect_dma source(%dma_start3A_232 : memref<100000xf32, #tpu.memory_space<hbm>>) target(%dma_start3A_226 : memref<128xf32, #tpu.memory_space<vmem>>) offsets(%dma_start3A_228 : memref<128xi32, #tpu.memory_space<vmem>>) semaphore(%arg9 : memref<!tpu.dma_semaphore, #tpu.memory_space<semaphore_mem>>)
    %dma_start3A_233 = arith.constant 4 : i32
    %dma_start3A_234 = arith.constant 3 : i32
    %dma_start3A_235 = arith.constant 0 : i32
    %dma_start3A_236 = tpu.memref_slice %arg7[%dma_start3A_233, %dma_start3A_234, %dma_start3A_235] : memref<6x4x128xf32, #tpu.memory_space<vmem>> -> memref<1x1x128xf32, #tpu.memory_space<vmem>>
    %dma_start3A_237 = tpu.memref_squeeze %dma_start3A_236 : memref<1x1x128xf32, #tpu.memory_space<vmem>> -> memref<128xf32, #tpu.memory_space<vmem>>
    %dma_start3A_238 = arith.constant 384 : i32
    %dma_start3A_239 = tpu.memref_slice %arg6[%dma_start3A_238] : memref<512xi32, #tpu.memory_space<vmem>> -> memref<128xi32, #tpu.memory_space<vmem>>
    %dma_start3A_240 = arith.constant 100000 : i32
    %dma_start3A_241 = tpu.memref_slice %arg4[%dma_start3A_240] : memref<300000xf32, #tpu.memory_space<hbm>> -> memref<100000xf32, #tpu.memory_space<hbm>>
    %dma_start3A_242 = arith.constant 0 : i32
    %dma_start3A_243 = tpu.memref_slice %dma_start3A_241[%dma_start3A_242] : memref<100000xf32, #tpu.memory_space<hbm>> -> memref<100000xf32, #tpu.memory_space<hbm>>
    tpu.enqueue_indirect_dma source(%dma_start3A_243 : memref<100000xf32, #tpu.memory_space<hbm>>) target(%dma_start3A_237 : memref<128xf32, #tpu.memory_space<vmem>>) offsets(%dma_start3A_239 : memref<128xi32, #tpu.memory_space<vmem>>) semaphore(%arg12 : memref<!tpu.dma_semaphore, #tpu.memory_space<semaphore_mem>>)
    %dma_start3A_244 = arith.constant 2 : i32
    %dma_start3A_245 = arith.constant 3 : i32
    %dma_start3A_246 = arith.constant 0 : i32
    %dma_start3A_247 = tpu.memref_slice %arg7[%dma_start3A_244, %dma_start3A_245, %dma_start3A_246] : memref<6x4x128xf32, #tpu.memory_space<vmem>> -> memref<1x1x128xf32, #tpu.memory_space<vmem>>
    %dma_start3A_248 = tpu.memref_squeeze %dma_start3A_247 : memref<1x1x128xf32, #tpu.memory_space<vmem>> -> memref<128xf32, #tpu.memory_space<vmem>>
    %dma_start3A_249 = arith.constant 384 : i32
    %dma_start3A_250 = tpu.memref_slice %arg6[%dma_start3A_249] : memref<512xi32, #tpu.memory_space<vmem>> -> memref<128xi32, #tpu.memory_space<vmem>>
    %dma_start3A_251 = arith.constant 200000 : i32
    %dma_start3A_252 = tpu.memref_slice %arg3[%dma_start3A_251] : memref<300000xf32, #tpu.memory_space<hbm>> -> memref<100000xf32, #tpu.memory_space<hbm>>
    %dma_start3A_253 = arith.constant 0 : i32
    %dma_start3A_254 = tpu.memref_slice %dma_start3A_252[%dma_start3A_253] : memref<100000xf32, #tpu.memory_space<hbm>> -> memref<100000xf32, #tpu.memory_space<hbm>>
    tpu.enqueue_indirect_dma source(%dma_start3A_254 : memref<100000xf32, #tpu.memory_space<hbm>>) target(%dma_start3A_248 : memref<128xf32, #tpu.memory_space<vmem>>) offsets(%dma_start3A_250 : memref<128xi32, #tpu.memory_space<vmem>>) semaphore(%arg10 : memref<!tpu.dma_semaphore, #tpu.memory_space<semaphore_mem>>)
    %dma_start3A_255 = arith.constant 5 : i32
    %dma_start3A_256 = arith.constant 3 : i32
    %dma_start3A_257 = arith.constant 0 : i32
    %dma_start3A_258 = tpu.memref_slice %arg7[%dma_start3A_255, %dma_start3A_256, %dma_start3A_257] : memref<6x4x128xf32, #tpu.memory_space<vmem>> -> memref<1x1x128xf32, #tpu.memory_space<vmem>>
    %dma_start3A_259 = tpu.memref_squeeze %dma_start3A_258 : memref<1x1x128xf32, #tpu.memory_space<vmem>> -> memref<128xf32, #tpu.memory_space<vmem>>
    %dma_start3A_260 = arith.constant 384 : i32
    %dma_start3A_261 = tpu.memref_slice %arg6[%dma_start3A_260] : memref<512xi32, #tpu.memory_space<vmem>> -> memref<128xi32, #tpu.memory_space<vmem>>
    %dma_start3A_262 = arith.constant 200000 : i32
    %dma_start3A_263 = tpu.memref_slice %arg4[%dma_start3A_262] : memref<300000xf32, #tpu.memory_space<hbm>> -> memref<100000xf32, #tpu.memory_space<hbm>>
    %dma_start3A_264 = arith.constant 0 : i32
    %dma_start3A_265 = tpu.memref_slice %dma_start3A_263[%dma_start3A_264] : memref<100000xf32, #tpu.memory_space<hbm>> -> memref<100000xf32, #tpu.memory_space<hbm>>
    tpu.enqueue_indirect_dma source(%dma_start3A_265 : memref<100000xf32, #tpu.memory_space<hbm>>) target(%dma_start3A_259 : memref<128xf32, #tpu.memory_space<vmem>>) offsets(%dma_start3A_261 : memref<128xi32, #tpu.memory_space<vmem>>) semaphore(%arg13 : memref<!tpu.dma_semaphore, #tpu.memory_space<semaphore_mem>>)
    %dma_wait3A = arith.constant 0 : i32
    %dma_wait3A_266 = arith.constant 0 : i32
    %dma_wait3A_267 = arith.constant 0 : i32
    %dma_wait3A_268 = tpu.memref_slice %arg7[%dma_wait3A, %dma_wait3A_266, %dma_wait3A_267] : memref<6x4x128xf32, #tpu.memory_space<vmem>> -> memref<1x1x128xf32, #tpu.memory_space<vmem>>
    %dma_wait3A_269 = tpu.memref_squeeze %dma_wait3A_268 : memref<1x1x128xf32, #tpu.memory_space<vmem>> -> memref<128xf32, #tpu.memory_space<vmem>>
    %dma_wait3A_270 = arith.constant 0 : i32
    %dma_wait3A_271 = tpu.memref_slice %arg6[%dma_wait3A_270] : memref<512xi32, #tpu.memory_space<vmem>> -> memref<128xi32, #tpu.memory_space<vmem>>
    %dma_wait3A_272 = arith.constant 0 : i32
    %dma_wait3A_273 = tpu.memref_slice %arg3[%dma_wait3A_272] : memref<300000xf32, #tpu.memory_space<hbm>> -> memref<100000xf32, #tpu.memory_space<hbm>>
    %dma_wait3A_274 = arith.constant 0 : i32
    %dma_wait3A_275 = tpu.memref_slice %dma_wait3A_273[%dma_wait3A_274] : memref<100000xf32, #tpu.memory_space<hbm>> -> memref<100000xf32, #tpu.memory_space<hbm>>
    tpu.wait_indirect_dma semaphore(%arg8 : memref<!tpu.dma_semaphore, #tpu.memory_space<semaphore_mem>>) src(%dma_wait3A_275 : memref<100000xf32, #tpu.memory_space<hbm>>) dst(%dma_wait3A_269 : memref<128xf32, #tpu.memory_space<vmem>>)
    %dma_wait3A_276 = arith.constant 0 : i32
    %dma_wait3A_277 = arith.constant 1 : i32
    %dma_wait3A_278 = arith.constant 0 : i32
    %dma_wait3A_279 = tpu.memref_slice %arg7[%dma_wait3A_276, %dma_wait3A_277, %dma_wait3A_278] : memref<6x4x128xf32, #tpu.memory_space<vmem>> -> memref<1x1x128xf32, #tpu.memory_space<vmem>>
    %dma_wait3A_280 = tpu.memref_squeeze %dma_wait3A_279 : memref<1x1x128xf32, #tpu.memory_space<vmem>> -> memref<128xf32, #tpu.memory_space<vmem>>
    %dma_wait3A_281 = arith.constant 128 : i32
    %dma_wait3A_282 = tpu.memref_slice %arg6[%dma_wait3A_281] : memref<512xi32, #tpu.memory_space<vmem>> -> memref<128xi32, #tpu.memory_space<vmem>>
    %dma_wait3A_283 = arith.constant 0 : i32
    %dma_wait3A_284 = tpu.memref_slice %arg3[%dma_wait3A_283] : memref<300000xf32, #tpu.memory_space<hbm>> -> memref<100000xf32, #tpu.memory_space<hbm>>
    %dma_wait3A_285 = arith.constant 0 : i32
    %dma_wait3A_286 = tpu.memref_slice %dma_wait3A_284[%dma_wait3A_285] : memref<100000xf32, #tpu.memory_space<hbm>> -> memref<100000xf32, #tpu.memory_space<hbm>>
    tpu.wait_indirect_dma semaphore(%arg8 : memref<!tpu.dma_semaphore, #tpu.memory_space<semaphore_mem>>) src(%dma_wait3A_286 : memref<100000xf32, #tpu.memory_space<hbm>>) dst(%dma_wait3A_280 : memref<128xf32, #tpu.memory_space<vmem>>)
    %dma_wait3A_287 = arith.constant 0 : i32
    %dma_wait3A_288 = arith.constant 2 : i32
    %dma_wait3A_289 = arith.constant 0 : i32
    %dma_wait3A_290 = tpu.memref_slice %arg7[%dma_wait3A_287, %dma_wait3A_288, %dma_wait3A_289] : memref<6x4x128xf32, #tpu.memory_space<vmem>> -> memref<1x1x128xf32, #tpu.memory_space<vmem>>
    %dma_wait3A_291 = tpu.memref_squeeze %dma_wait3A_290 : memref<1x1x128xf32, #tpu.memory_space<vmem>> -> memref<128xf32, #tpu.memory_space<vmem>>
    %dma_wait3A_292 = arith.constant 256 : i32
    %dma_wait3A_293 = tpu.memref_slice %arg6[%dma_wait3A_292] : memref<512xi32, #tpu.memory_space<vmem>> -> memref<128xi32, #tpu.memory_space<vmem>>
    %dma_wait3A_294 = arith.constant 0 : i32
    %dma_wait3A_295 = tpu.memref_slice %arg3[%dma_wait3A_294] : memref<300000xf32, #tpu.memory_space<hbm>> -> memref<100000xf32, #tpu.memory_space<hbm>>
    %dma_wait3A_296 = arith.constant 0 : i32
    %dma_wait3A_297 = tpu.memref_slice %dma_wait3A_295[%dma_wait3A_296] : memref<100000xf32, #tpu.memory_space<hbm>> -> memref<100000xf32, #tpu.memory_space<hbm>>
    tpu.wait_indirect_dma semaphore(%arg8 : memref<!tpu.dma_semaphore, #tpu.memory_space<semaphore_mem>>) src(%dma_wait3A_297 : memref<100000xf32, #tpu.memory_space<hbm>>) dst(%dma_wait3A_291 : memref<128xf32, #tpu.memory_space<vmem>>)
    %dma_wait3A_298 = arith.constant 0 : i32
    %dma_wait3A_299 = arith.constant 3 : i32
    %dma_wait3A_300 = arith.constant 0 : i32
    %dma_wait3A_301 = tpu.memref_slice %arg7[%dma_wait3A_298, %dma_wait3A_299, %dma_wait3A_300] : memref<6x4x128xf32, #tpu.memory_space<vmem>> -> memref<1x1x128xf32, #tpu.memory_space<vmem>>
    %dma_wait3A_302 = tpu.memref_squeeze %dma_wait3A_301 : memref<1x1x128xf32, #tpu.memory_space<vmem>> -> memref<128xf32, #tpu.memory_space<vmem>>
    %dma_wait3A_303 = arith.constant 384 : i32
    %dma_wait3A_304 = tpu.memref_slice %arg6[%dma_wait3A_303] : memref<512xi32, #tpu.memory_space<vmem>> -> memref<128xi32, #tpu.memory_space<vmem>>
    %dma_wait3A_305 = arith.constant 0 : i32
    %dma_wait3A_306 = tpu.memref_slice %arg3[%dma_wait3A_305] : memref<300000xf32, #tpu.memory_space<hbm>> -> memref<100000xf32, #tpu.memory_space<hbm>>
    %dma_wait3A_307 = arith.constant 0 : i32
    %dma_wait3A_308 = tpu.memref_slice %dma_wait3A_306[%dma_wait3A_307] : memref<100000xf32, #tpu.memory_space<hbm>> -> memref<100000xf32, #tpu.memory_space<hbm>>
    tpu.wait_indirect_dma semaphore(%arg8 : memref<!tpu.dma_semaphore, #tpu.memory_space<semaphore_mem>>) src(%dma_wait3A_308 : memref<100000xf32, #tpu.memory_space<hbm>>) dst(%dma_wait3A_302 : memref<128xf32, #tpu.memory_space<vmem>>)
    %run_scoped3A = arith.constant 0 : i32
    %run_scoped3A_309 = arith.constant 0 : i32
    "tpu.region"() ({
      %run_scoped3A_540 = tpu.sem_alloc : memref<!tpu.dma_semaphore, #tpu.memory_space<semaphore_mem>>
      %dma_start3A_541 = arith.constant 0 : i32
      %dma_start3A_542 = arith.constant 0 : i32
      %dma_start3A_543 = tpu.memref_slice %arg7[%run_scoped3A, %dma_start3A_541, %dma_start3A_542] : memref<6x4x128xf32, #tpu.memory_space<vmem>> -> memref<1x4x128xf32, #tpu.memory_space<vmem>>
      %dma_start3A_544 = tpu.memref_squeeze %dma_start3A_543 : memref<1x4x128xf32, #tpu.memory_space<vmem>> -> memref<4x128xf32, #tpu.memory_space<vmem>>
      %dma_start3A_545 = arith.constant 0 : i32
      %dma_start3A_546 = arith.constant 0 : i32
      %dma_start3A_547 = tpu.memref_slice %arg5[%run_scoped3A_309, %add3A, %dma_start3A_545, %dma_start3A_546] : memref<6x32x4x128xf32, #tpu.memory_space<hbm>> -> memref<1x1x4x128xf32, #tpu.memory_space<hbm>>
      %dma_start3A_548 = tpu.memref_squeeze %dma_start3A_547 : memref<1x1x4x128xf32, #tpu.memory_space<hbm>> -> memref<4x128xf32, #tpu.memory_space<hbm>>
      %dma_start3A_549 = arith.constant 0 : i32
      %dma_start3A_550 = arith.constant 0 : i32
      %dma_start3A_551 = tpu.memref_slice %arg5[%run_scoped3A_309, %add3A, %dma_start3A_549, %dma_start3A_550] : memref<6x32x4x128xf32, #tpu.memory_space<hbm>> -> memref<1x1x4x128xf32, #tpu.memory_space<hbm>>
      %dma_start3A_552 = tpu.memref_squeeze %dma_start3A_551 : memref<1x1x4x128xf32, #tpu.memory_space<hbm>> -> memref<4x128xf32, #tpu.memory_space<hbm>>
      %dma_start3A_553 = arith.constant 0 : i32
      %dma_start3A_554 = arith.constant 0 : i32
      %dma_start3A_555 = tpu.memref_slice %arg7[%run_scoped3A, %dma_start3A_553, %dma_start3A_554] : memref<6x4x128xf32, #tpu.memory_space<vmem>> -> memref<1x4x128xf32, #tpu.memory_space<vmem>>
      %dma_start3A_556 = tpu.memref_squeeze %dma_start3A_555 : memref<1x4x128xf32, #tpu.memory_space<vmem>> -> memref<4x128xf32, #tpu.memory_space<vmem>>
      tpu.enqueue_dma source(%dma_start3A_556 : memref<4x128xf32, #tpu.memory_space<vmem>>) target(%dma_start3A_552 : memref<4x128xf32, #tpu.memory_space<hbm>>) target_semaphore(%run_scoped3A_540 : memref<!tpu.dma_semaphore, #tpu.memory_space<semaphore_mem>>)
      %dma_wait3A_557 = arith.constant 0 : i32
      %dma_wait3A_558 = arith.constant 0 : i32
      %dma_wait3A_559 = tpu.memref_slice %arg7[%run_scoped3A, %dma_wait3A_557, %dma_wait3A_558] : memref<6x4x128xf32, #tpu.memory_space<vmem>> -> memref<1x4x128xf32, #tpu.memory_space<vmem>>
      %dma_wait3A_560 = tpu.memref_squeeze %dma_wait3A_559 : memref<1x4x128xf32, #tpu.memory_space<vmem>> -> memref<4x128xf32, #tpu.memory_space<vmem>>
      %dma_wait3A_561 = arith.constant 0 : i32
      %dma_wait3A_562 = arith.constant 0 : i32
      %dma_wait3A_563 = tpu.memref_slice %arg5[%run_scoped3A_309, %add3A, %dma_wait3A_561, %dma_wait3A_562] : memref<6x32x4x128xf32, #tpu.memory_space<hbm>> -> memref<1x1x4x128xf32, #tpu.memory_space<hbm>>
      %dma_wait3A_564 = tpu.memref_squeeze %dma_wait3A_563 : memref<1x1x4x128xf32, #tpu.memory_space<hbm>> -> memref<4x128xf32, #tpu.memory_space<hbm>>
      %dma_wait3A_565 = arith.constant 0 : i32
      %dma_wait3A_566 = arith.constant 0 : i32
      %dma_wait3A_567 = tpu.memref_slice %arg5[%run_scoped3A_309, %add3A, %dma_wait3A_565, %dma_wait3A_566] : memref<6x32x4x128xf32, #tpu.memory_space<hbm>> -> memref<1x1x4x128xf32, #tpu.memory_space<hbm>>
      %dma_wait3A_568 = tpu.memref_squeeze %dma_wait3A_567 : memref<1x1x4x128xf32, #tpu.memory_space<hbm>> -> memref<4x128xf32, #tpu.memory_space<hbm>>
      %dma_wait3A_569 = arith.constant 0 : i32
      %dma_wait3A_570 = arith.constant 0 : i32
      %dma_wait3A_571 = tpu.memref_slice %arg7[%run_scoped3A, %dma_wait3A_569, %dma_wait3A_570] : memref<6x4x128xf32, #tpu.memory_space<vmem>> -> memref<1x4x128xf32, #tpu.memory_space<vmem>>
      %dma_wait3A_572 = tpu.memref_squeeze %dma_wait3A_571 : memref<1x4x128xf32, #tpu.memory_space<vmem>> -> memref<4x128xf32, #tpu.memory_space<vmem>>
      tpu.wait_dma2 semaphore(%run_scoped3A_540 : memref<!tpu.dma_semaphore, #tpu.memory_space<semaphore_mem>>) src(%dma_wait3A_572 : memref<4x128xf32, #tpu.memory_space<vmem>>) dst(%dma_wait3A_568 : memref<4x128xf32, #tpu.memory_space<hbm>>)
      tpu.yield
    }) : () -> ()
    %dma_wait3A_310 = arith.constant 1 : i32
    %dma_wait3A_311 = arith.constant 0 : i32
    %dma_wait3A_312 = arith.constant 0 : i32
    %dma_wait3A_313 = tpu.memref_slice %arg7[%dma_wait3A_310, %dma_wait3A_311, %dma_wait3A_312] : memref<6x4x128xf32, #tpu.memory_space<vmem>> -> memref<1x1x128xf32, #tpu.memory_space<vmem>>
    %dma_wait3A_314 = tpu.memref_squeeze %dma_wait3A_313 : memref<1x1x128xf32, #tpu.memory_space<vmem>> -> memref<128xf32, #tpu.memory_space<vmem>>
    %dma_wait3A_315 = arith.constant 0 : i32
    %dma_wait3A_316 = tpu.memref_slice %arg6[%dma_wait3A_315] : memref<512xi32, #tpu.memory_space<vmem>> -> memref<128xi32, #tpu.memory_space<vmem>>
    %dma_wait3A_317 = arith.constant 100000 : i32
    %dma_wait3A_318 = tpu.memref_slice %arg3[%dma_wait3A_317] : memref<300000xf32, #tpu.memory_space<hbm>> -> memref<100000xf32, #tpu.memory_space<hbm>>
    %dma_wait3A_319 = arith.constant 0 : i32
    %dma_wait3A_320 = tpu.memref_slice %dma_wait3A_318[%dma_wait3A_319] : memref<100000xf32, #tpu.memory_space<hbm>> -> memref<100000xf32, #tpu.memory_space<hbm>>
    tpu.wait_indirect_dma semaphore(%arg9 : memref<!tpu.dma_semaphore, #tpu.memory_space<semaphore_mem>>) src(%dma_wait3A_320 : memref<100000xf32, #tpu.memory_space<hbm>>) dst(%dma_wait3A_314 : memref<128xf32, #tpu.memory_space<vmem>>)
    %dma_wait3A_321 = arith.constant 1 : i32
    %dma_wait3A_322 = arith.constant 1 : i32
    %dma_wait3A_323 = arith.constant 0 : i32
    %dma_wait3A_324 = tpu.memref_slice %arg7[%dma_wait3A_321, %dma_wait3A_322, %dma_wait3A_323] : memref<6x4x128xf32, #tpu.memory_space<vmem>> -> memref<1x1x128xf32, #tpu.memory_space<vmem>>
    %dma_wait3A_325 = tpu.memref_squeeze %dma_wait3A_324 : memref<1x1x128xf32, #tpu.memory_space<vmem>> -> memref<128xf32, #tpu.memory_space<vmem>>
    %dma_wait3A_326 = arith.constant 128 : i32
    %dma_wait3A_327 = tpu.memref_slice %arg6[%dma_wait3A_326] : memref<512xi32, #tpu.memory_space<vmem>> -> memref<128xi32, #tpu.memory_space<vmem>>
    %dma_wait3A_328 = arith.constant 100000 : i32
    %dma_wait3A_329 = tpu.memref_slice %arg3[%dma_wait3A_328] : memref<300000xf32, #tpu.memory_space<hbm>> -> memref<100000xf32, #tpu.memory_space<hbm>>
    %dma_wait3A_330 = arith.constant 0 : i32
    %dma_wait3A_331 = tpu.memref_slice %dma_wait3A_329[%dma_wait3A_330] : memref<100000xf32, #tpu.memory_space<hbm>> -> memref<100000xf32, #tpu.memory_space<hbm>>
    tpu.wait_indirect_dma semaphore(%arg9 : memref<!tpu.dma_semaphore, #tpu.memory_space<semaphore_mem>>) src(%dma_wait3A_331 : memref<100000xf32, #tpu.memory_space<hbm>>) dst(%dma_wait3A_325 : memref<128xf32, #tpu.memory_space<vmem>>)
    %dma_wait3A_332 = arith.constant 1 : i32
    %dma_wait3A_333 = arith.constant 2 : i32
    %dma_wait3A_334 = arith.constant 0 : i32
    %dma_wait3A_335 = tpu.memref_slice %arg7[%dma_wait3A_332, %dma_wait3A_333, %dma_wait3A_334] : memref<6x4x128xf32, #tpu.memory_space<vmem>> -> memref<1x1x128xf32, #tpu.memory_space<vmem>>
    %dma_wait3A_336 = tpu.memref_squeeze %dma_wait3A_335 : memref<1x1x128xf32, #tpu.memory_space<vmem>> -> memref<128xf32, #tpu.memory_space<vmem>>
    %dma_wait3A_337 = arith.constant 256 : i32
    %dma_wait3A_338 = tpu.memref_slice %arg6[%dma_wait3A_337] : memref<512xi32, #tpu.memory_space<vmem>> -> memref<128xi32, #tpu.memory_space<vmem>>
    %dma_wait3A_339 = arith.constant 100000 : i32
    %dma_wait3A_340 = tpu.memref_slice %arg3[%dma_wait3A_339] : memref<300000xf32, #tpu.memory_space<hbm>> -> memref<100000xf32, #tpu.memory_space<hbm>>
    %dma_wait3A_341 = arith.constant 0 : i32
    %dma_wait3A_342 = tpu.memref_slice %dma_wait3A_340[%dma_wait3A_341] : memref<100000xf32, #tpu.memory_space<hbm>> -> memref<100000xf32, #tpu.memory_space<hbm>>
    tpu.wait_indirect_dma semaphore(%arg9 : memref<!tpu.dma_semaphore, #tpu.memory_space<semaphore_mem>>) src(%dma_wait3A_342 : memref<100000xf32, #tpu.memory_space<hbm>>) dst(%dma_wait3A_336 : memref<128xf32, #tpu.memory_space<vmem>>)
    %dma_wait3A_343 = arith.constant 1 : i32
    %dma_wait3A_344 = arith.constant 3 : i32
    %dma_wait3A_345 = arith.constant 0 : i32
    %dma_wait3A_346 = tpu.memref_slice %arg7[%dma_wait3A_343, %dma_wait3A_344, %dma_wait3A_345] : memref<6x4x128xf32, #tpu.memory_space<vmem>> -> memref<1x1x128xf32, #tpu.memory_space<vmem>>
    %dma_wait3A_347 = tpu.memref_squeeze %dma_wait3A_346 : memref<1x1x128xf32, #tpu.memory_space<vmem>> -> memref<128xf32, #tpu.memory_space<vmem>>
    %dma_wait3A_348 = arith.constant 384 : i32
    %dma_wait3A_349 = tpu.memref_slice %arg6[%dma_wait3A_348] : memref<512xi32, #tpu.memory_space<vmem>> -> memref<128xi32, #tpu.memory_space<vmem>>
    %dma_wait3A_350 = arith.constant 100000 : i32
    %dma_wait3A_351 = tpu.memref_slice %arg3[%dma_wait3A_350] : memref<300000xf32, #tpu.memory_space<hbm>> -> memref<100000xf32, #tpu.memory_space<hbm>>
    %dma_wait3A_352 = arith.constant 0 : i32
    %dma_wait3A_353 = tpu.memref_slice %dma_wait3A_351[%dma_wait3A_352] : memref<100000xf32, #tpu.memory_space<hbm>> -> memref<100000xf32, #tpu.memory_space<hbm>>
    tpu.wait_indirect_dma semaphore(%arg9 : memref<!tpu.dma_semaphore, #tpu.memory_space<semaphore_mem>>) src(%dma_wait3A_353 : memref<100000xf32, #tpu.memory_space<hbm>>) dst(%dma_wait3A_347 : memref<128xf32, #tpu.memory_space<vmem>>)
    %run_scoped3A_354 = arith.constant 1 : i32
    %run_scoped3A_355 = arith.constant 1 : i32
    "tpu.region"() ({
      %run_scoped3A_540 = tpu.sem_alloc : memref<!tpu.dma_semaphore, #tpu.memory_space<semaphore_mem>>
      %dma_start3A_541 = arith.constant 0 : i32
      %dma_start3A_542 = arith.constant 0 : i32
      %dma_start3A_543 = tpu.memref_slice %arg7[%run_scoped3A_354, %dma_start3A_541, %dma_start3A_542] : memref<6x4x128xf32, #tpu.memory_space<vmem>> -> memref<1x4x128xf32, #tpu.memory_space<vmem>>
      %dma_start3A_544 = tpu.memref_squeeze %dma_start3A_543 : memref<1x4x128xf32, #tpu.memory_space<vmem>> -> memref<4x128xf32, #tpu.memory_space<vmem>>
      %dma_start3A_545 = arith.constant 0 : i32
      %dma_start3A_546 = arith.constant 0 : i32
      %dma_start3A_547 = tpu.memref_slice %arg5[%run_scoped3A_355, %add3A, %dma_start3A_545, %dma_start3A_546] : memref<6x32x4x128xf32, #tpu.memory_space<hbm>> -> memref<1x1x4x128xf32, #tpu.memory_space<hbm>>
      %dma_start3A_548 = tpu.memref_squeeze %dma_start3A_547 : memref<1x1x4x128xf32, #tpu.memory_space<hbm>> -> memref<4x128xf32, #tpu.memory_space<hbm>>
      %dma_start3A_549 = arith.constant 0 : i32
      %dma_start3A_550 = arith.constant 0 : i32
      %dma_start3A_551 = tpu.memref_slice %arg5[%run_scoped3A_355, %add3A, %dma_start3A_549, %dma_start3A_550] : memref<6x32x4x128xf32, #tpu.memory_space<hbm>> -> memref<1x1x4x128xf32, #tpu.memory_space<hbm>>
      %dma_start3A_552 = tpu.memref_squeeze %dma_start3A_551 : memref<1x1x4x128xf32, #tpu.memory_space<hbm>> -> memref<4x128xf32, #tpu.memory_space<hbm>>
      %dma_start3A_553 = arith.constant 0 : i32
      %dma_start3A_554 = arith.constant 0 : i32
      %dma_start3A_555 = tpu.memref_slice %arg7[%run_scoped3A_354, %dma_start3A_553, %dma_start3A_554] : memref<6x4x128xf32, #tpu.memory_space<vmem>> -> memref<1x4x128xf32, #tpu.memory_space<vmem>>
      %dma_start3A_556 = tpu.memref_squeeze %dma_start3A_555 : memref<1x4x128xf32, #tpu.memory_space<vmem>> -> memref<4x128xf32, #tpu.memory_space<vmem>>
      tpu.enqueue_dma source(%dma_start3A_556 : memref<4x128xf32, #tpu.memory_space<vmem>>) target(%dma_start3A_552 : memref<4x128xf32, #tpu.memory_space<hbm>>) target_semaphore(%run_scoped3A_540 : memref<!tpu.dma_semaphore, #tpu.memory_space<semaphore_mem>>)
      %dma_wait3A_557 = arith.constant 0 : i32
      %dma_wait3A_558 = arith.constant 0 : i32
      %dma_wait3A_559 = tpu.memref_slice %arg7[%run_scoped3A_354, %dma_wait3A_557, %dma_wait3A_558] : memref<6x4x128xf32, #tpu.memory_space<vmem>> -> memref<1x4x128xf32, #tpu.memory_space<vmem>>
      %dma_wait3A_560 = tpu.memref_squeeze %dma_wait3A_559 : memref<1x4x128xf32, #tpu.memory_space<vmem>> -> memref<4x128xf32, #tpu.memory_space<vmem>>
      %dma_wait3A_561 = arith.constant 0 : i32
      %dma_wait3A_562 = arith.constant 0 : i32
      %dma_wait3A_563 = tpu.memref_slice %arg5[%run_scoped3A_355, %add3A, %dma_wait3A_561, %dma_wait3A_562] : memref<6x32x4x128xf32, #tpu.memory_space<hbm>> -> memref<1x1x4x128xf32, #tpu.memory_space<hbm>>
      %dma_wait3A_564 = tpu.memref_squeeze %dma_wait3A_563 : memref<1x1x4x128xf32, #tpu.memory_space<hbm>> -> memref<4x128xf32, #tpu.memory_space<hbm>>
      %dma_wait3A_565 = arith.constant 0 : i32
      %dma_wait3A_566 = arith.constant 0 : i32
      %dma_wait3A_567 = tpu.memref_slice %arg5[%run_scoped3A_355, %add3A, %dma_wait3A_565, %dma_wait3A_566] : memref<6x32x4x128xf32, #tpu.memory_space<hbm>> -> memref<1x1x4x128xf32, #tpu.memory_space<hbm>>
      %dma_wait3A_568 = tpu.memref_squeeze %dma_wait3A_567 : memref<1x1x4x128xf32, #tpu.memory_space<hbm>> -> memref<4x128xf32, #tpu.memory_space<hbm>>
      %dma_wait3A_569 = arith.constant 0 : i32
      %dma_wait3A_570 = arith.constant 0 : i32
      %dma_wait3A_571 = tpu.memref_slice %arg7[%run_scoped3A_354, %dma_wait3A_569, %dma_wait3A_570] : memref<6x4x128xf32, #tpu.memory_space<vmem>> -> memref<1x4x128xf32, #tpu.memory_space<vmem>>
      %dma_wait3A_572 = tpu.memref_squeeze %dma_wait3A_571 : memref<1x4x128xf32, #tpu.memory_space<vmem>> -> memref<4x128xf32, #tpu.memory_space<vmem>>
      tpu.wait_dma2 semaphore(%run_scoped3A_540 : memref<!tpu.dma_semaphore, #tpu.memory_space<semaphore_mem>>) src(%dma_wait3A_572 : memref<4x128xf32, #tpu.memory_space<vmem>>) dst(%dma_wait3A_568 : memref<4x128xf32, #tpu.memory_space<hbm>>)
      tpu.yield
    }) : () -> ()
    %dma_wait3A_356 = arith.constant 2 : i32
    %dma_wait3A_357 = arith.constant 0 : i32
    %dma_wait3A_358 = arith.constant 0 : i32
    %dma_wait3A_359 = tpu.memref_slice %arg7[%dma_wait3A_356, %dma_wait3A_357, %dma_wait3A_358] : memref<6x4x128xf32, #tpu.memory_space<vmem>> -> memref<1x1x128xf32, #tpu.memory_space<vmem>>
    %dma_wait3A_360 = tpu.memref_squeeze %dma_wait3A_359 : memref<1x1x128xf32, #tpu.memory_space<vmem>> -> memref<128xf32, #tpu.memory_space<vmem>>
    %dma_wait3A_361 = arith.constant 0 : i32
    %dma_wait3A_362 = tpu.memref_slice %arg6[%dma_wait3A_361] : memref<512xi32, #tpu.memory_space<vmem>> -> memref<128xi32, #tpu.memory_space<vmem>>
    %dma_wait3A_363 = arith.constant 200000 : i32
    %dma_wait3A_364 = tpu.memref_slice %arg3[%dma_wait3A_363] : memref<300000xf32, #tpu.memory_space<hbm>> -> memref<100000xf32, #tpu.memory_space<hbm>>
    %dma_wait3A_365 = arith.constant 0 : i32
    %dma_wait3A_366 = tpu.memref_slice %dma_wait3A_364[%dma_wait3A_365] : memref<100000xf32, #tpu.memory_space<hbm>> -> memref<100000xf32, #tpu.memory_space<hbm>>
    tpu.wait_indirect_dma semaphore(%arg10 : memref<!tpu.dma_semaphore, #tpu.memory_space<semaphore_mem>>) src(%dma_wait3A_366 : memref<100000xf32, #tpu.memory_space<hbm>>) dst(%dma_wait3A_360 : memref<128xf32, #tpu.memory_space<vmem>>)
    %dma_wait3A_367 = arith.constant 2 : i32
    %dma_wait3A_368 = arith.constant 1 : i32
    %dma_wait3A_369 = arith.constant 0 : i32
    %dma_wait3A_370 = tpu.memref_slice %arg7[%dma_wait3A_367, %dma_wait3A_368, %dma_wait3A_369] : memref<6x4x128xf32, #tpu.memory_space<vmem>> -> memref<1x1x128xf32, #tpu.memory_space<vmem>>
    %dma_wait3A_371 = tpu.memref_squeeze %dma_wait3A_370 : memref<1x1x128xf32, #tpu.memory_space<vmem>> -> memref<128xf32, #tpu.memory_space<vmem>>
    %dma_wait3A_372 = arith.constant 128 : i32
    %dma_wait3A_373 = tpu.memref_slice %arg6[%dma_wait3A_372] : memref<512xi32, #tpu.memory_space<vmem>> -> memref<128xi32, #tpu.memory_space<vmem>>
    %dma_wait3A_374 = arith.constant 200000 : i32
    %dma_wait3A_375 = tpu.memref_slice %arg3[%dma_wait3A_374] : memref<300000xf32, #tpu.memory_space<hbm>> -> memref<100000xf32, #tpu.memory_space<hbm>>
    %dma_wait3A_376 = arith.constant 0 : i32
    %dma_wait3A_377 = tpu.memref_slice %dma_wait3A_375[%dma_wait3A_376] : memref<100000xf32, #tpu.memory_space<hbm>> -> memref<100000xf32, #tpu.memory_space<hbm>>
    tpu.wait_indirect_dma semaphore(%arg10 : memref<!tpu.dma_semaphore, #tpu.memory_space<semaphore_mem>>) src(%dma_wait3A_377 : memref<100000xf32, #tpu.memory_space<hbm>>) dst(%dma_wait3A_371 : memref<128xf32, #tpu.memory_space<vmem>>)
    %dma_wait3A_378 = arith.constant 2 : i32
    %dma_wait3A_379 = arith.constant 2 : i32
    %dma_wait3A_380 = arith.constant 0 : i32
    %dma_wait3A_381 = tpu.memref_slice %arg7[%dma_wait3A_378, %dma_wait3A_379, %dma_wait3A_380] : memref<6x4x128xf32, #tpu.memory_space<vmem>> -> memref<1x1x128xf32, #tpu.memory_space<vmem>>
    %dma_wait3A_382 = tpu.memref_squeeze %dma_wait3A_381 : memref<1x1x128xf32, #tpu.memory_space<vmem>> -> memref<128xf32, #tpu.memory_space<vmem>>
    %dma_wait3A_383 = arith.constant 256 : i32
    %dma_wait3A_384 = tpu.memref_slice %arg6[%dma_wait3A_383] : memref<512xi32, #tpu.memory_space<vmem>> -> memref<128xi32, #tpu.memory_space<vmem>>
    %dma_wait3A_385 = arith.constant 200000 : i32
    %dma_wait3A_386 = tpu.memref_slice %arg3[%dma_wait3A_385] : memref<300000xf32, #tpu.memory_space<hbm>> -> memref<100000xf32, #tpu.memory_space<hbm>>
    %dma_wait3A_387 = arith.constant 0 : i32
    %dma_wait3A_388 = tpu.memref_slice %dma_wait3A_386[%dma_wait3A_387] : memref<100000xf32, #tpu.memory_space<hbm>> -> memref<100000xf32, #tpu.memory_space<hbm>>
    tpu.wait_indirect_dma semaphore(%arg10 : memref<!tpu.dma_semaphore, #tpu.memory_space<semaphore_mem>>) src(%dma_wait3A_388 : memref<100000xf32, #tpu.memory_space<hbm>>) dst(%dma_wait3A_382 : memref<128xf32, #tpu.memory_space<vmem>>)
    %dma_wait3A_389 = arith.constant 2 : i32
    %dma_wait3A_390 = arith.constant 3 : i32
    %dma_wait3A_391 = arith.constant 0 : i32
    %dma_wait3A_392 = tpu.memref_slice %arg7[%dma_wait3A_389, %dma_wait3A_390, %dma_wait3A_391] : memref<6x4x128xf32, #tpu.memory_space<vmem>> -> memref<1x1x128xf32, #tpu.memory_space<vmem>>
    %dma_wait3A_393 = tpu.memref_squeeze %dma_wait3A_392 : memref<1x1x128xf32, #tpu.memory_space<vmem>> -> memref<128xf32, #tpu.memory_space<vmem>>
    %dma_wait3A_394 = arith.constant 384 : i32
    %dma_wait3A_395 = tpu.memref_slice %arg6[%dma_wait3A_394] : memref<512xi32, #tpu.memory_space<vmem>> -> memref<128xi32, #tpu.memory_space<vmem>>
    %dma_wait3A_396 = arith.constant 200000 : i32
    %dma_wait3A_397 = tpu.memref_slice %arg3[%dma_wait3A_396] : memref<300000xf32, #tpu.memory_space<hbm>> -> memref<100000xf32, #tpu.memory_space<hbm>>
    %dma_wait3A_398 = arith.constant 0 : i32
    %dma_wait3A_399 = tpu.memref_slice %dma_wait3A_397[%dma_wait3A_398] : memref<100000xf32, #tpu.memory_space<hbm>> -> memref<100000xf32, #tpu.memory_space<hbm>>
    tpu.wait_indirect_dma semaphore(%arg10 : memref<!tpu.dma_semaphore, #tpu.memory_space<semaphore_mem>>) src(%dma_wait3A_399 : memref<100000xf32, #tpu.memory_space<hbm>>) dst(%dma_wait3A_393 : memref<128xf32, #tpu.memory_space<vmem>>)
    %run_scoped3A_400 = arith.constant 2 : i32
    %run_scoped3A_401 = arith.constant 2 : i32
    "tpu.region"() ({
      %run_scoped3A_540 = tpu.sem_alloc : memref<!tpu.dma_semaphore, #tpu.memory_space<semaphore_mem>>
      %dma_start3A_541 = arith.constant 0 : i32
      %dma_start3A_542 = arith.constant 0 : i32
      %dma_start3A_543 = tpu.memref_slice %arg7[%run_scoped3A_400, %dma_start3A_541, %dma_start3A_542] : memref<6x4x128xf32, #tpu.memory_space<vmem>> -> memref<1x4x128xf32, #tpu.memory_space<vmem>>
      %dma_start3A_544 = tpu.memref_squeeze %dma_start3A_543 : memref<1x4x128xf32, #tpu.memory_space<vmem>> -> memref<4x128xf32, #tpu.memory_space<vmem>>
      %dma_start3A_545 = arith.constant 0 : i32
      %dma_start3A_546 = arith.constant 0 : i32
      %dma_start3A_547 = tpu.memref_slice %arg5[%run_scoped3A_401, %add3A, %dma_start3A_545, %dma_start3A_546] : memref<6x32x4x128xf32, #tpu.memory_space<hbm>> -> memref<1x1x4x128xf32, #tpu.memory_space<hbm>>
      %dma_start3A_548 = tpu.memref_squeeze %dma_start3A_547 : memref<1x1x4x128xf32, #tpu.memory_space<hbm>> -> memref<4x128xf32, #tpu.memory_space<hbm>>
      %dma_start3A_549 = arith.constant 0 : i32
      %dma_start3A_550 = arith.constant 0 : i32
      %dma_start3A_551 = tpu.memref_slice %arg5[%run_scoped3A_401, %add3A, %dma_start3A_549, %dma_start3A_550] : memref<6x32x4x128xf32, #tpu.memory_space<hbm>> -> memref<1x1x4x128xf32, #tpu.memory_space<hbm>>
      %dma_start3A_552 = tpu.memref_squeeze %dma_start3A_551 : memref<1x1x4x128xf32, #tpu.memory_space<hbm>> -> memref<4x128xf32, #tpu.memory_space<hbm>>
      %dma_start3A_553 = arith.constant 0 : i32
      %dma_start3A_554 = arith.constant 0 : i32
      %dma_start3A_555 = tpu.memref_slice %arg7[%run_scoped3A_400, %dma_start3A_553, %dma_start3A_554] : memref<6x4x128xf32, #tpu.memory_space<vmem>> -> memref<1x4x128xf32, #tpu.memory_space<vmem>>
      %dma_start3A_556 = tpu.memref_squeeze %dma_start3A_555 : memref<1x4x128xf32, #tpu.memory_space<vmem>> -> memref<4x128xf32, #tpu.memory_space<vmem>>
      tpu.enqueue_dma source(%dma_start3A_556 : memref<4x128xf32, #tpu.memory_space<vmem>>) target(%dma_start3A_552 : memref<4x128xf32, #tpu.memory_space<hbm>>) target_semaphore(%run_scoped3A_540 : memref<!tpu.dma_semaphore, #tpu.memory_space<semaphore_mem>>)
      %dma_wait3A_557 = arith.constant 0 : i32
      %dma_wait3A_558 = arith.constant 0 : i32
      %dma_wait3A_559 = tpu.memref_slice %arg7[%run_scoped3A_400, %dma_wait3A_557, %dma_wait3A_558] : memref<6x4x128xf32, #tpu.memory_space<vmem>> -> memref<1x4x128xf32, #tpu.memory_space<vmem>>
      %dma_wait3A_560 = tpu.memref_squeeze %dma_wait3A_559 : memref<1x4x128xf32, #tpu.memory_space<vmem>> -> memref<4x128xf32, #tpu.memory_space<vmem>>
      %dma_wait3A_561 = arith.constant 0 : i32
      %dma_wait3A_562 = arith.constant 0 : i32
      %dma_wait3A_563 = tpu.memref_slice %arg5[%run_scoped3A_401, %add3A, %dma_wait3A_561, %dma_wait3A_562] : memref<6x32x4x128xf32, #tpu.memory_space<hbm>> -> memref<1x1x4x128xf32, #tpu.memory_space<hbm>>
      %dma_wait3A_564 = tpu.memref_squeeze %dma_wait3A_563 : memref<1x1x4x128xf32, #tpu.memory_space<hbm>> -> memref<4x128xf32, #tpu.memory_space<hbm>>
      %dma_wait3A_565 = arith.constant 0 : i32
      %dma_wait3A_566 = arith.constant 0 : i32
      %dma_wait3A_567 = tpu.memref_slice %arg5[%run_scoped3A_401, %add3A, %dma_wait3A_565, %dma_wait3A_566] : memref<6x32x4x128xf32, #tpu.memory_space<hbm>> -> memref<1x1x4x128xf32, #tpu.memory_space<hbm>>
      %dma_wait3A_568 = tpu.memref_squeeze %dma_wait3A_567 : memref<1x1x4x128xf32, #tpu.memory_space<hbm>> -> memref<4x128xf32, #tpu.memory_space<hbm>>
      %dma_wait3A_569 = arith.constant 0 : i32
      %dma_wait3A_570 = arith.constant 0 : i32
      %dma_wait3A_571 = tpu.memref_slice %arg7[%run_scoped3A_400, %dma_wait3A_569, %dma_wait3A_570] : memref<6x4x128xf32, #tpu.memory_space<vmem>> -> memref<1x4x128xf32, #tpu.memory_space<vmem>>
      %dma_wait3A_572 = tpu.memref_squeeze %dma_wait3A_571 : memref<1x4x128xf32, #tpu.memory_space<vmem>> -> memref<4x128xf32, #tpu.memory_space<vmem>>
      tpu.wait_dma2 semaphore(%run_scoped3A_540 : memref<!tpu.dma_semaphore, #tpu.memory_space<semaphore_mem>>) src(%dma_wait3A_572 : memref<4x128xf32, #tpu.memory_space<vmem>>) dst(%dma_wait3A_568 : memref<4x128xf32, #tpu.memory_space<hbm>>)
      tpu.yield
    }) : () -> ()
    %dma_wait3A_402 = arith.constant 3 : i32
    %dma_wait3A_403 = arith.constant 0 : i32
    %dma_wait3A_404 = arith.constant 0 : i32
    %dma_wait3A_405 = tpu.memref_slice %arg7[%dma_wait3A_402, %dma_wait3A_403, %dma_wait3A_404] : memref<6x4x128xf32, #tpu.memory_space<vmem>> -> memref<1x1x128xf32, #tpu.memory_space<vmem>>
    %dma_wait3A_406 = tpu.memref_squeeze %dma_wait3A_405 : memref<1x1x128xf32, #tpu.memory_space<vmem>> -> memref<128xf32, #tpu.memory_space<vmem>>
    %dma_wait3A_407 = arith.constant 0 : i32
    %dma_wait3A_408 = tpu.memref_slice %arg6[%dma_wait3A_407] : memref<512xi32, #tpu.memory_space<vmem>> -> memref<128xi32, #tpu.memory_space<vmem>>
    %dma_wait3A_409 = arith.constant 0 : i32
    %dma_wait3A_410 = tpu.memref_slice %arg4[%dma_wait3A_409] : memref<300000xf32, #tpu.memory_space<hbm>> -> memref<100000xf32, #tpu.memory_space<hbm>>
    %dma_wait3A_411 = arith.constant 0 : i32
    %dma_wait3A_412 = tpu.memref_slice %dma_wait3A_410[%dma_wait3A_411] : memref<100000xf32, #tpu.memory_space<hbm>> -> memref<100000xf32, #tpu.memory_space<hbm>>
    tpu.wait_indirect_dma semaphore(%arg11 : memref<!tpu.dma_semaphore, #tpu.memory_space<semaphore_mem>>) src(%dma_wait3A_412 : memref<100000xf32, #tpu.memory_space<hbm>>) dst(%dma_wait3A_406 : memref<128xf32, #tpu.memory_space<vmem>>)
    %dma_wait3A_413 = arith.constant 3 : i32
    %dma_wait3A_414 = arith.constant 1 : i32
    %dma_wait3A_415 = arith.constant 0 : i32
    %dma_wait3A_416 = tpu.memref_slice %arg7[%dma_wait3A_413, %dma_wait3A_414, %dma_wait3A_415] : memref<6x4x128xf32, #tpu.memory_space<vmem>> -> memref<1x1x128xf32, #tpu.memory_space<vmem>>
    %dma_wait3A_417 = tpu.memref_squeeze %dma_wait3A_416 : memref<1x1x128xf32, #tpu.memory_space<vmem>> -> memref<128xf32, #tpu.memory_space<vmem>>
    %dma_wait3A_418 = arith.constant 128 : i32
    %dma_wait3A_419 = tpu.memref_slice %arg6[%dma_wait3A_418] : memref<512xi32, #tpu.memory_space<vmem>> -> memref<128xi32, #tpu.memory_space<vmem>>
    %dma_wait3A_420 = arith.constant 0 : i32
    %dma_wait3A_421 = tpu.memref_slice %arg4[%dma_wait3A_420] : memref<300000xf32, #tpu.memory_space<hbm>> -> memref<100000xf32, #tpu.memory_space<hbm>>
    %dma_wait3A_422 = arith.constant 0 : i32
    %dma_wait3A_423 = tpu.memref_slice %dma_wait3A_421[%dma_wait3A_422] : memref<100000xf32, #tpu.memory_space<hbm>> -> memref<100000xf32, #tpu.memory_space<hbm>>
    tpu.wait_indirect_dma semaphore(%arg11 : memref<!tpu.dma_semaphore, #tpu.memory_space<semaphore_mem>>) src(%dma_wait3A_423 : memref<100000xf32, #tpu.memory_space<hbm>>) dst(%dma_wait3A_417 : memref<128xf32, #tpu.memory_space<vmem>>)
    %dma_wait3A_424 = arith.constant 3 : i32
    %dma_wait3A_425 = arith.constant 2 : i32
    %dma_wait3A_426 = arith.constant 0 : i32
    %dma_wait3A_427 = tpu.memref_slice %arg7[%dma_wait3A_424, %dma_wait3A_425, %dma_wait3A_426] : memref<6x4x128xf32, #tpu.memory_space<vmem>> -> memref<1x1x128xf32, #tpu.memory_space<vmem>>
    %dma_wait3A_428 = tpu.memref_squeeze %dma_wait3A_427 : memref<1x1x128xf32, #tpu.memory_space<vmem>> -> memref<128xf32, #tpu.memory_space<vmem>>
    %dma_wait3A_429 = arith.constant 256 : i32
    %dma_wait3A_430 = tpu.memref_slice %arg6[%dma_wait3A_429] : memref<512xi32, #tpu.memory_space<vmem>> -> memref<128xi32, #tpu.memory_space<vmem>>
    %dma_wait3A_431 = arith.constant 0 : i32
    %dma_wait3A_432 = tpu.memref_slice %arg4[%dma_wait3A_431] : memref<300000xf32, #tpu.memory_space<hbm>> -> memref<100000xf32, #tpu.memory_space<hbm>>
    %dma_wait3A_433 = arith.constant 0 : i32
    %dma_wait3A_434 = tpu.memref_slice %dma_wait3A_432[%dma_wait3A_433] : memref<100000xf32, #tpu.memory_space<hbm>> -> memref<100000xf32, #tpu.memory_space<hbm>>
    tpu.wait_indirect_dma semaphore(%arg11 : memref<!tpu.dma_semaphore, #tpu.memory_space<semaphore_mem>>) src(%dma_wait3A_434 : memref<100000xf32, #tpu.memory_space<hbm>>) dst(%dma_wait3A_428 : memref<128xf32, #tpu.memory_space<vmem>>)
    %dma_wait3A_435 = arith.constant 3 : i32
    %dma_wait3A_436 = arith.constant 3 : i32
    %dma_wait3A_437 = arith.constant 0 : i32
    %dma_wait3A_438 = tpu.memref_slice %arg7[%dma_wait3A_435, %dma_wait3A_436, %dma_wait3A_437] : memref<6x4x128xf32, #tpu.memory_space<vmem>> -> memref<1x1x128xf32, #tpu.memory_space<vmem>>
    %dma_wait3A_439 = tpu.memref_squeeze %dma_wait3A_438 : memref<1x1x128xf32, #tpu.memory_space<vmem>> -> memref<128xf32, #tpu.memory_space<vmem>>
    %dma_wait3A_440 = arith.constant 384 : i32
    %dma_wait3A_441 = tpu.memref_slice %arg6[%dma_wait3A_440] : memref<512xi32, #tpu.memory_space<vmem>> -> memref<128xi32, #tpu.memory_space<vmem>>
    %dma_wait3A_442 = arith.constant 0 : i32
    %dma_wait3A_443 = tpu.memref_slice %arg4[%dma_wait3A_442] : memref<300000xf32, #tpu.memory_space<hbm>> -> memref<100000xf32, #tpu.memory_space<hbm>>
    %dma_wait3A_444 = arith.constant 0 : i32
    %dma_wait3A_445 = tpu.memref_slice %dma_wait3A_443[%dma_wait3A_444] : memref<100000xf32, #tpu.memory_space<hbm>> -> memref<100000xf32, #tpu.memory_space<hbm>>
    tpu.wait_indirect_dma semaphore(%arg11 : memref<!tpu.dma_semaphore, #tpu.memory_space<semaphore_mem>>) src(%dma_wait3A_445 : memref<100000xf32, #tpu.memory_space<hbm>>) dst(%dma_wait3A_439 : memref<128xf32, #tpu.memory_space<vmem>>)
    %run_scoped3A_446 = arith.constant 3 : i32
    %run_scoped3A_447 = arith.constant 3 : i32
    "tpu.region"() ({
      %run_scoped3A_540 = tpu.sem_alloc : memref<!tpu.dma_semaphore, #tpu.memory_space<semaphore_mem>>
      %dma_start3A_541 = arith.constant 0 : i32
      %dma_start3A_542 = arith.constant 0 : i32
      %dma_start3A_543 = tpu.memref_slice %arg7[%run_scoped3A_446, %dma_start3A_541, %dma_start3A_542] : memref<6x4x128xf32, #tpu.memory_space<vmem>> -> memref<1x4x128xf32, #tpu.memory_space<vmem>>
      %dma_start3A_544 = tpu.memref_squeeze %dma_start3A_543 : memref<1x4x128xf32, #tpu.memory_space<vmem>> -> memref<4x128xf32, #tpu.memory_space<vmem>>
      %dma_start3A_545 = arith.constant 0 : i32
      %dma_start3A_546 = arith.constant 0 : i32
      %dma_start3A_547 = tpu.memref_slice %arg5[%run_scoped3A_447, %add3A, %dma_start3A_545, %dma_start3A_546] : memref<6x32x4x128xf32, #tpu.memory_space<hbm>> -> memref<1x1x4x128xf32, #tpu.memory_space<hbm>>
      %dma_start3A_548 = tpu.memref_squeeze %dma_start3A_547 : memref<1x1x4x128xf32, #tpu.memory_space<hbm>> -> memref<4x128xf32, #tpu.memory_space<hbm>>
      %dma_start3A_549 = arith.constant 0 : i32
      %dma_start3A_550 = arith.constant 0 : i32
      %dma_start3A_551 = tpu.memref_slice %arg5[%run_scoped3A_447, %add3A, %dma_start3A_549, %dma_start3A_550] : memref<6x32x4x128xf32, #tpu.memory_space<hbm>> -> memref<1x1x4x128xf32, #tpu.memory_space<hbm>>
      %dma_start3A_552 = tpu.memref_squeeze %dma_start3A_551 : memref<1x1x4x128xf32, #tpu.memory_space<hbm>> -> memref<4x128xf32, #tpu.memory_space<hbm>>
      %dma_start3A_553 = arith.constant 0 : i32
      %dma_start3A_554 = arith.constant 0 : i32
      %dma_start3A_555 = tpu.memref_slice %arg7[%run_scoped3A_446, %dma_start3A_553, %dma_start3A_554] : memref<6x4x128xf32, #tpu.memory_space<vmem>> -> memref<1x4x128xf32, #tpu.memory_space<vmem>>
      %dma_start3A_556 = tpu.memref_squeeze %dma_start3A_555 : memref<1x4x128xf32, #tpu.memory_space<vmem>> -> memref<4x128xf32, #tpu.memory_space<vmem>>
      tpu.enqueue_dma source(%dma_start3A_556 : memref<4x128xf32, #tpu.memory_space<vmem>>) target(%dma_start3A_552 : memref<4x128xf32, #tpu.memory_space<hbm>>) target_semaphore(%run_scoped3A_540 : memref<!tpu.dma_semaphore, #tpu.memory_space<semaphore_mem>>)
      %dma_wait3A_557 = arith.constant 0 : i32
      %dma_wait3A_558 = arith.constant 0 : i32
      %dma_wait3A_559 = tpu.memref_slice %arg7[%run_scoped3A_446, %dma_wait3A_557, %dma_wait3A_558] : memref<6x4x128xf32, #tpu.memory_space<vmem>> -> memref<1x4x128xf32, #tpu.memory_space<vmem>>
      %dma_wait3A_560 = tpu.memref_squeeze %dma_wait3A_559 : memref<1x4x128xf32, #tpu.memory_space<vmem>> -> memref<4x128xf32, #tpu.memory_space<vmem>>
      %dma_wait3A_561 = arith.constant 0 : i32
      %dma_wait3A_562 = arith.constant 0 : i32
      %dma_wait3A_563 = tpu.memref_slice %arg5[%run_scoped3A_447, %add3A, %dma_wait3A_561, %dma_wait3A_562] : memref<6x32x4x128xf32, #tpu.memory_space<hbm>> -> memref<1x1x4x128xf32, #tpu.memory_space<hbm>>
      %dma_wait3A_564 = tpu.memref_squeeze %dma_wait3A_563 : memref<1x1x4x128xf32, #tpu.memory_space<hbm>> -> memref<4x128xf32, #tpu.memory_space<hbm>>
      %dma_wait3A_565 = arith.constant 0 : i32
      %dma_wait3A_566 = arith.constant 0 : i32
      %dma_wait3A_567 = tpu.memref_slice %arg5[%run_scoped3A_447, %add3A, %dma_wait3A_565, %dma_wait3A_566] : memref<6x32x4x128xf32, #tpu.memory_space<hbm>> -> memref<1x1x4x128xf32, #tpu.memory_space<hbm>>
      %dma_wait3A_568 = tpu.memref_squeeze %dma_wait3A_567 : memref<1x1x4x128xf32, #tpu.memory_space<hbm>> -> memref<4x128xf32, #tpu.memory_space<hbm>>
      %dma_wait3A_569 = arith.constant 0 : i32
      %dma_wait3A_570 = arith.constant 0 : i32
      %dma_wait3A_571 = tpu.memref_slice %arg7[%run_scoped3A_446, %dma_wait3A_569, %dma_wait3A_570] : memref<6x4x128xf32, #tpu.memory_space<vmem>> -> memref<1x4x128xf32, #tpu.memory_space<vmem>>
      %dma_wait3A_572 = tpu.memref_squeeze %dma_wait3A_571 : memref<1x4x128xf32, #tpu.memory_space<vmem>> -> memref<4x128xf32, #tpu.memory_space<vmem>>
      tpu.wait_dma2 semaphore(%run_scoped3A_540 : memref<!tpu.dma_semaphore, #tpu.memory_space<semaphore_mem>>) src(%dma_wait3A_572 : memref<4x128xf32, #tpu.memory_space<vmem>>) dst(%dma_wait3A_568 : memref<4x128xf32, #tpu.memory_space<hbm>>)
      tpu.yield
    }) : () -> ()
    %dma_wait3A_448 = arith.constant 4 : i32
    %dma_wait3A_449 = arith.constant 0 : i32
    %dma_wait3A_450 = arith.constant 0 : i32
    %dma_wait3A_451 = tpu.memref_slice %arg7[%dma_wait3A_448, %dma_wait3A_449, %dma_wait3A_450] : memref<6x4x128xf32, #tpu.memory_space<vmem>> -> memref<1x1x128xf32, #tpu.memory_space<vmem>>
    %dma_wait3A_452 = tpu.memref_squeeze %dma_wait3A_451 : memref<1x1x128xf32, #tpu.memory_space<vmem>> -> memref<128xf32, #tpu.memory_space<vmem>>
    %dma_wait3A_453 = arith.constant 0 : i32
    %dma_wait3A_454 = tpu.memref_slice %arg6[%dma_wait3A_453] : memref<512xi32, #tpu.memory_space<vmem>> -> memref<128xi32, #tpu.memory_space<vmem>>
    %dma_wait3A_455 = arith.constant 100000 : i32
    %dma_wait3A_456 = tpu.memref_slice %arg4[%dma_wait3A_455] : memref<300000xf32, #tpu.memory_space<hbm>> -> memref<100000xf32, #tpu.memory_space<hbm>>
    %dma_wait3A_457 = arith.constant 0 : i32
    %dma_wait3A_458 = tpu.memref_slice %dma_wait3A_456[%dma_wait3A_457] : memref<100000xf32, #tpu.memory_space<hbm>> -> memref<100000xf32, #tpu.memory_space<hbm>>
    tpu.wait_indirect_dma semaphore(%arg12 : memref<!tpu.dma_semaphore, #tpu.memory_space<semaphore_mem>>) src(%dma_wait3A_458 : memref<100000xf32, #tpu.memory_space<hbm>>) dst(%dma_wait3A_452 : memref<128xf32, #tpu.memory_space<vmem>>)
    %dma_wait3A_459 = arith.constant 4 : i32
    %dma_wait3A_460 = arith.constant 1 : i32
    %dma_wait3A_461 = arith.constant 0 : i32
    %dma_wait3A_462 = tpu.memref_slice %arg7[%dma_wait3A_459, %dma_wait3A_460, %dma_wait3A_461] : memref<6x4x128xf32, #tpu.memory_space<vmem>> -> memref<1x1x128xf32, #tpu.memory_space<vmem>>
    %dma_wait3A_463 = tpu.memref_squeeze %dma_wait3A_462 : memref<1x1x128xf32, #tpu.memory_space<vmem>> -> memref<128xf32, #tpu.memory_space<vmem>>
    %dma_wait3A_464 = arith.constant 128 : i32
    %dma_wait3A_465 = tpu.memref_slice %arg6[%dma_wait3A_464] : memref<512xi32, #tpu.memory_space<vmem>> -> memref<128xi32, #tpu.memory_space<vmem>>
    %dma_wait3A_466 = arith.constant 100000 : i32
    %dma_wait3A_467 = tpu.memref_slice %arg4[%dma_wait3A_466] : memref<300000xf32, #tpu.memory_space<hbm>> -> memref<100000xf32, #tpu.memory_space<hbm>>
    %dma_wait3A_468 = arith.constant 0 : i32
    %dma_wait3A_469 = tpu.memref_slice %dma_wait3A_467[%dma_wait3A_468] : memref<100000xf32, #tpu.memory_space<hbm>> -> memref<100000xf32, #tpu.memory_space<hbm>>
    tpu.wait_indirect_dma semaphore(%arg12 : memref<!tpu.dma_semaphore, #tpu.memory_space<semaphore_mem>>) src(%dma_wait3A_469 : memref<100000xf32, #tpu.memory_space<hbm>>) dst(%dma_wait3A_463 : memref<128xf32, #tpu.memory_space<vmem>>)
    %dma_wait3A_470 = arith.constant 4 : i32
    %dma_wait3A_471 = arith.constant 2 : i32
    %dma_wait3A_472 = arith.constant 0 : i32
    %dma_wait3A_473 = tpu.memref_slice %arg7[%dma_wait3A_470, %dma_wait3A_471, %dma_wait3A_472] : memref<6x4x128xf32, #tpu.memory_space<vmem>> -> memref<1x1x128xf32, #tpu.memory_space<vmem>>
    %dma_wait3A_474 = tpu.memref_squeeze %dma_wait3A_473 : memref<1x1x128xf32, #tpu.memory_space<vmem>> -> memref<128xf32, #tpu.memory_space<vmem>>
    %dma_wait3A_475 = arith.constant 256 : i32
    %dma_wait3A_476 = tpu.memref_slice %arg6[%dma_wait3A_475] : memref<512xi32, #tpu.memory_space<vmem>> -> memref<128xi32, #tpu.memory_space<vmem>>
    %dma_wait3A_477 = arith.constant 100000 : i32
    %dma_wait3A_478 = tpu.memref_slice %arg4[%dma_wait3A_477] : memref<300000xf32, #tpu.memory_space<hbm>> -> memref<100000xf32, #tpu.memory_space<hbm>>
    %dma_wait3A_479 = arith.constant 0 : i32
    %dma_wait3A_480 = tpu.memref_slice %dma_wait3A_478[%dma_wait3A_479] : memref<100000xf32, #tpu.memory_space<hbm>> -> memref<100000xf32, #tpu.memory_space<hbm>>
    tpu.wait_indirect_dma semaphore(%arg12 : memref<!tpu.dma_semaphore, #tpu.memory_space<semaphore_mem>>) src(%dma_wait3A_480 : memref<100000xf32, #tpu.memory_space<hbm>>) dst(%dma_wait3A_474 : memref<128xf32, #tpu.memory_space<vmem>>)
    %dma_wait3A_481 = arith.constant 4 : i32
    %dma_wait3A_482 = arith.constant 3 : i32
    %dma_wait3A_483 = arith.constant 0 : i32
    %dma_wait3A_484 = tpu.memref_slice %arg7[%dma_wait3A_481, %dma_wait3A_482, %dma_wait3A_483] : memref<6x4x128xf32, #tpu.memory_space<vmem>> -> memref<1x1x128xf32, #tpu.memory_space<vmem>>
    %dma_wait3A_485 = tpu.memref_squeeze %dma_wait3A_484 : memref<1x1x128xf32, #tpu.memory_space<vmem>> -> memref<128xf32, #tpu.memory_space<vmem>>
    %dma_wait3A_486 = arith.constant 384 : i32
    %dma_wait3A_487 = tpu.memref_slice %arg6[%dma_wait3A_486] : memref<512xi32, #tpu.memory_space<vmem>> -> memref<128xi32, #tpu.memory_space<vmem>>
    %dma_wait3A_488 = arith.constant 100000 : i32
    %dma_wait3A_489 = tpu.memref_slice %arg4[%dma_wait3A_488] : memref<300000xf32, #tpu.memory_space<hbm>> -> memref<100000xf32, #tpu.memory_space<hbm>>
    %dma_wait3A_490 = arith.constant 0 : i32
    %dma_wait3A_491 = tpu.memref_slice %dma_wait3A_489[%dma_wait3A_490] : memref<100000xf32, #tpu.memory_space<hbm>> -> memref<100000xf32, #tpu.memory_space<hbm>>
    tpu.wait_indirect_dma semaphore(%arg12 : memref<!tpu.dma_semaphore, #tpu.memory_space<semaphore_mem>>) src(%dma_wait3A_491 : memref<100000xf32, #tpu.memory_space<hbm>>) dst(%dma_wait3A_485 : memref<128xf32, #tpu.memory_space<vmem>>)
    %run_scoped3A_492 = arith.constant 4 : i32
    %run_scoped3A_493 = arith.constant 4 : i32
    "tpu.region"() ({
      %run_scoped3A_540 = tpu.sem_alloc : memref<!tpu.dma_semaphore, #tpu.memory_space<semaphore_mem>>
      %dma_start3A_541 = arith.constant 0 : i32
      %dma_start3A_542 = arith.constant 0 : i32
      %dma_start3A_543 = tpu.memref_slice %arg7[%run_scoped3A_492, %dma_start3A_541, %dma_start3A_542] : memref<6x4x128xf32, #tpu.memory_space<vmem>> -> memref<1x4x128xf32, #tpu.memory_space<vmem>>
      %dma_start3A_544 = tpu.memref_squeeze %dma_start3A_543 : memref<1x4x128xf32, #tpu.memory_space<vmem>> -> memref<4x128xf32, #tpu.memory_space<vmem>>
      %dma_start3A_545 = arith.constant 0 : i32
      %dma_start3A_546 = arith.constant 0 : i32
      %dma_start3A_547 = tpu.memref_slice %arg5[%run_scoped3A_493, %add3A, %dma_start3A_545, %dma_start3A_546] : memref<6x32x4x128xf32, #tpu.memory_space<hbm>> -> memref<1x1x4x128xf32, #tpu.memory_space<hbm>>
      %dma_start3A_548 = tpu.memref_squeeze %dma_start3A_547 : memref<1x1x4x128xf32, #tpu.memory_space<hbm>> -> memref<4x128xf32, #tpu.memory_space<hbm>>
      %dma_start3A_549 = arith.constant 0 : i32
      %dma_start3A_550 = arith.constant 0 : i32
      %dma_start3A_551 = tpu.memref_slice %arg5[%run_scoped3A_493, %add3A, %dma_start3A_549, %dma_start3A_550] : memref<6x32x4x128xf32, #tpu.memory_space<hbm>> -> memref<1x1x4x128xf32, #tpu.memory_space<hbm>>
      %dma_start3A_552 = tpu.memref_squeeze %dma_start3A_551 : memref<1x1x4x128xf32, #tpu.memory_space<hbm>> -> memref<4x128xf32, #tpu.memory_space<hbm>>
      %dma_start3A_553 = arith.constant 0 : i32
      %dma_start3A_554 = arith.constant 0 : i32
      %dma_start3A_555 = tpu.memref_slice %arg7[%run_scoped3A_492, %dma_start3A_553, %dma_start3A_554] : memref<6x4x128xf32, #tpu.memory_space<vmem>> -> memref<1x4x128xf32, #tpu.memory_space<vmem>>
      %dma_start3A_556 = tpu.memref_squeeze %dma_start3A_555 : memref<1x4x128xf32, #tpu.memory_space<vmem>> -> memref<4x128xf32, #tpu.memory_space<vmem>>
      tpu.enqueue_dma source(%dma_start3A_556 : memref<4x128xf32, #tpu.memory_space<vmem>>) target(%dma_start3A_552 : memref<4x128xf32, #tpu.memory_space<hbm>>) target_semaphore(%run_scoped3A_540 : memref<!tpu.dma_semaphore, #tpu.memory_space<semaphore_mem>>)
      %dma_wait3A_557 = arith.constant 0 : i32
      %dma_wait3A_558 = arith.constant 0 : i32
      %dma_wait3A_559 = tpu.memref_slice %arg7[%run_scoped3A_492, %dma_wait3A_557, %dma_wait3A_558] : memref<6x4x128xf32, #tpu.memory_space<vmem>> -> memref<1x4x128xf32, #tpu.memory_space<vmem>>
      %dma_wait3A_560 = tpu.memref_squeeze %dma_wait3A_559 : memref<1x4x128xf32, #tpu.memory_space<vmem>> -> memref<4x128xf32, #tpu.memory_space<vmem>>
      %dma_wait3A_561 = arith.constant 0 : i32
      %dma_wait3A_562 = arith.constant 0 : i32
      %dma_wait3A_563 = tpu.memref_slice %arg5[%run_scoped3A_493, %add3A, %dma_wait3A_561, %dma_wait3A_562] : memref<6x32x4x128xf32, #tpu.memory_space<hbm>> -> memref<1x1x4x128xf32, #tpu.memory_space<hbm>>
      %dma_wait3A_564 = tpu.memref_squeeze %dma_wait3A_563 : memref<1x1x4x128xf32, #tpu.memory_space<hbm>> -> memref<4x128xf32, #tpu.memory_space<hbm>>
      %dma_wait3A_565 = arith.constant 0 : i32
      %dma_wait3A_566 = arith.constant 0 : i32
      %dma_wait3A_567 = tpu.memref_slice %arg5[%run_scoped3A_493, %add3A, %dma_wait3A_565, %dma_wait3A_566] : memref<6x32x4x128xf32, #tpu.memory_space<hbm>> -> memref<1x1x4x128xf32, #tpu.memory_space<hbm>>
      %dma_wait3A_568 = tpu.memref_squeeze %dma_wait3A_567 : memref<1x1x4x128xf32, #tpu.memory_space<hbm>> -> memref<4x128xf32, #tpu.memory_space<hbm>>
      %dma_wait3A_569 = arith.constant 0 : i32
      %dma_wait3A_570 = arith.constant 0 : i32
      %dma_wait3A_571 = tpu.memref_slice %arg7[%run_scoped3A_492, %dma_wait3A_569, %dma_wait3A_570] : memref<6x4x128xf32, #tpu.memory_space<vmem>> -> memref<1x4x128xf32, #tpu.memory_space<vmem>>
      %dma_wait3A_572 = tpu.memref_squeeze %dma_wait3A_571 : memref<1x4x128xf32, #tpu.memory_space<vmem>> -> memref<4x128xf32, #tpu.memory_space<vmem>>
      tpu.wait_dma2 semaphore(%run_scoped3A_540 : memref<!tpu.dma_semaphore, #tpu.memory_space<semaphore_mem>>) src(%dma_wait3A_572 : memref<4x128xf32, #tpu.memory_space<vmem>>) dst(%dma_wait3A_568 : memref<4x128xf32, #tpu.memory_space<hbm>>)
      tpu.yield
    }) : () -> ()
    %dma_wait3A_494 = arith.constant 5 : i32
    %dma_wait3A_495 = arith.constant 0 : i32
    %dma_wait3A_496 = arith.constant 0 : i32
    %dma_wait3A_497 = tpu.memref_slice %arg7[%dma_wait3A_494, %dma_wait3A_495, %dma_wait3A_496] : memref<6x4x128xf32, #tpu.memory_space<vmem>> -> memref<1x1x128xf32, #tpu.memory_space<vmem>>
    %dma_wait3A_498 = tpu.memref_squeeze %dma_wait3A_497 : memref<1x1x128xf32, #tpu.memory_space<vmem>> -> memref<128xf32, #tpu.memory_space<vmem>>
    %dma_wait3A_499 = arith.constant 0 : i32
    %dma_wait3A_500 = tpu.memref_slice %arg6[%dma_wait3A_499] : memref<512xi32, #tpu.memory_space<vmem>> -> memref<128xi32, #tpu.memory_space<vmem>>
    %dma_wait3A_501 = arith.constant 200000 : i32
    %dma_wait3A_502 = tpu.memref_slice %arg4[%dma_wait3A_501] : memref<300000xf32, #tpu.memory_space<hbm>> -> memref<100000xf32, #tpu.memory_space<hbm>>
    %dma_wait3A_503 = arith.constant 0 : i32
    %dma_wait3A_504 = tpu.memref_slice %dma_wait3A_502[%dma_wait3A_503] : memref<100000xf32, #tpu.memory_space<hbm>> -> memref<100000xf32, #tpu.memory_space<hbm>>
    tpu.wait_indirect_dma semaphore(%arg13 : memref<!tpu.dma_semaphore, #tpu.memory_space<semaphore_mem>>) src(%dma_wait3A_504 : memref<100000xf32, #tpu.memory_space<hbm>>) dst(%dma_wait3A_498 : memref<128xf32, #tpu.memory_space<vmem>>)
    %dma_wait3A_505 = arith.constant 5 : i32
    %dma_wait3A_506 = arith.constant 1 : i32
    %dma_wait3A_507 = arith.constant 0 : i32
    %dma_wait3A_508 = tpu.memref_slice %arg7[%dma_wait3A_505, %dma_wait3A_506, %dma_wait3A_507] : memref<6x4x128xf32, #tpu.memory_space<vmem>> -> memref<1x1x128xf32, #tpu.memory_space<vmem>>
    %dma_wait3A_509 = tpu.memref_squeeze %dma_wait3A_508 : memref<1x1x128xf32, #tpu.memory_space<vmem>> -> memref<128xf32, #tpu.memory_space<vmem>>
    %dma_wait3A_510 = arith.constant 128 : i32
    %dma_wait3A_511 = tpu.memref_slice %arg6[%dma_wait3A_510] : memref<512xi32, #tpu.memory_space<vmem>> -> memref<128xi32, #tpu.memory_space<vmem>>
    %dma_wait3A_512 = arith.constant 200000 : i32
    %dma_wait3A_513 = tpu.memref_slice %arg4[%dma_wait3A_512] : memref<300000xf32, #tpu.memory_space<hbm>> -> memref<100000xf32, #tpu.memory_space<hbm>>
    %dma_wait3A_514 = arith.constant 0 : i32
    %dma_wait3A_515 = tpu.memref_slice %dma_wait3A_513[%dma_wait3A_514] : memref<100000xf32, #tpu.memory_space<hbm>> -> memref<100000xf32, #tpu.memory_space<hbm>>
    tpu.wait_indirect_dma semaphore(%arg13 : memref<!tpu.dma_semaphore, #tpu.memory_space<semaphore_mem>>) src(%dma_wait3A_515 : memref<100000xf32, #tpu.memory_space<hbm>>) dst(%dma_wait3A_509 : memref<128xf32, #tpu.memory_space<vmem>>)
    %dma_wait3A_516 = arith.constant 5 : i32
    %dma_wait3A_517 = arith.constant 2 : i32
    %dma_wait3A_518 = arith.constant 0 : i32
    %dma_wait3A_519 = tpu.memref_slice %arg7[%dma_wait3A_516, %dma_wait3A_517, %dma_wait3A_518] : memref<6x4x128xf32, #tpu.memory_space<vmem>> -> memref<1x1x128xf32, #tpu.memory_space<vmem>>
    %dma_wait3A_520 = tpu.memref_squeeze %dma_wait3A_519 : memref<1x1x128xf32, #tpu.memory_space<vmem>> -> memref<128xf32, #tpu.memory_space<vmem>>
    %dma_wait3A_521 = arith.constant 256 : i32
    %dma_wait3A_522 = tpu.memref_slice %arg6[%dma_wait3A_521] : memref<512xi32, #tpu.memory_space<vmem>> -> memref<128xi32, #tpu.memory_space<vmem>>
    %dma_wait3A_523 = arith.constant 200000 : i32
    %dma_wait3A_524 = tpu.memref_slice %arg4[%dma_wait3A_523] : memref<300000xf32, #tpu.memory_space<hbm>> -> memref<100000xf32, #tpu.memory_space<hbm>>
    %dma_wait3A_525 = arith.constant 0 : i32
    %dma_wait3A_526 = tpu.memref_slice %dma_wait3A_524[%dma_wait3A_525] : memref<100000xf32, #tpu.memory_space<hbm>> -> memref<100000xf32, #tpu.memory_space<hbm>>
    tpu.wait_indirect_dma semaphore(%arg13 : memref<!tpu.dma_semaphore, #tpu.memory_space<semaphore_mem>>) src(%dma_wait3A_526 : memref<100000xf32, #tpu.memory_space<hbm>>) dst(%dma_wait3A_520 : memref<128xf32, #tpu.memory_space<vmem>>)
    %dma_wait3A_527 = arith.constant 5 : i32
    %dma_wait3A_528 = arith.constant 3 : i32
    %dma_wait3A_529 = arith.constant 0 : i32
    %dma_wait3A_530 = tpu.memref_slice %arg7[%dma_wait3A_527, %dma_wait3A_528, %dma_wait3A_529] : memref<6x4x128xf32, #tpu.memory_space<vmem>> -> memref<1x1x128xf32, #tpu.memory_space<vmem>>
    %dma_wait3A_531 = tpu.memref_squeeze %dma_wait3A_530 : memref<1x1x128xf32, #tpu.memory_space<vmem>> -> memref<128xf32, #tpu.memory_space<vmem>>
    %dma_wait3A_532 = arith.constant 384 : i32
    %dma_wait3A_533 = tpu.memref_slice %arg6[%dma_wait3A_532] : memref<512xi32, #tpu.memory_space<vmem>> -> memref<128xi32, #tpu.memory_space<vmem>>
    %dma_wait3A_534 = arith.constant 200000 : i32
    %dma_wait3A_535 = tpu.memref_slice %arg4[%dma_wait3A_534] : memref<300000xf32, #tpu.memory_space<hbm>> -> memref<100000xf32, #tpu.memory_space<hbm>>
    %dma_wait3A_536 = arith.constant 0 : i32
    %dma_wait3A_537 = tpu.memref_slice %dma_wait3A_535[%dma_wait3A_536] : memref<100000xf32, #tpu.memory_space<hbm>> -> memref<100000xf32, #tpu.memory_space<hbm>>
    tpu.wait_indirect_dma semaphore(%arg13 : memref<!tpu.dma_semaphore, #tpu.memory_space<semaphore_mem>>) src(%dma_wait3A_537 : memref<100000xf32, #tpu.memory_space<hbm>>) dst(%dma_wait3A_531 : memref<128xf32, #tpu.memory_space<vmem>>)
    %run_scoped3A_538 = arith.constant 5 : i32
    %run_scoped3A_539 = arith.constant 5 : i32
    "tpu.region"() ({
      %run_scoped3A_540 = tpu.sem_alloc : memref<!tpu.dma_semaphore, #tpu.memory_space<semaphore_mem>>
      %dma_start3A_541 = arith.constant 0 : i32
      %dma_start3A_542 = arith.constant 0 : i32
      %dma_start3A_543 = tpu.memref_slice %arg7[%run_scoped3A_538, %dma_start3A_541, %dma_start3A_542] : memref<6x4x128xf32, #tpu.memory_space<vmem>> -> memref<1x4x128xf32, #tpu.memory_space<vmem>>
      %dma_start3A_544 = tpu.memref_squeeze %dma_start3A_543 : memref<1x4x128xf32, #tpu.memory_space<vmem>> -> memref<4x128xf32, #tpu.memory_space<vmem>>
      %dma_start3A_545 = arith.constant 0 : i32
      %dma_start3A_546 = arith.constant 0 : i32
      %dma_start3A_547 = tpu.memref_slice %arg5[%run_scoped3A_539, %add3A, %dma_start3A_545, %dma_start3A_546] : memref<6x32x4x128xf32, #tpu.memory_space<hbm>> -> memref<1x1x4x128xf32, #tpu.memory_space<hbm>>
      %dma_start3A_548 = tpu.memref_squeeze %dma_start3A_547 : memref<1x1x4x128xf32, #tpu.memory_space<hbm>> -> memref<4x128xf32, #tpu.memory_space<hbm>>
      %dma_start3A_549 = arith.constant 0 : i32
      %dma_start3A_550 = arith.constant 0 : i32
      %dma_start3A_551 = tpu.memref_slice %arg5[%run_scoped3A_539, %add3A, %dma_start3A_549, %dma_start3A_550] : memref<6x32x4x128xf32, #tpu.memory_space<hbm>> -> memref<1x1x4x128xf32, #tpu.memory_space<hbm>>
      %dma_start3A_552 = tpu.memref_squeeze %dma_start3A_551 : memref<1x1x4x128xf32, #tpu.memory_space<hbm>> -> memref<4x128xf32, #tpu.memory_space<hbm>>
      %dma_start3A_553 = arith.constant 0 : i32
      %dma_start3A_554 = arith.constant 0 : i32
      %dma_start3A_555 = tpu.memref_slice %arg7[%run_scoped3A_538, %dma_start3A_553, %dma_start3A_554] : memref<6x4x128xf32, #tpu.memory_space<vmem>> -> memref<1x4x128xf32, #tpu.memory_space<vmem>>
      %dma_start3A_556 = tpu.memref_squeeze %dma_start3A_555 : memref<1x4x128xf32, #tpu.memory_space<vmem>> -> memref<4x128xf32, #tpu.memory_space<vmem>>
      tpu.enqueue_dma source(%dma_start3A_556 : memref<4x128xf32, #tpu.memory_space<vmem>>) target(%dma_start3A_552 : memref<4x128xf32, #tpu.memory_space<hbm>>) target_semaphore(%run_scoped3A_540 : memref<!tpu.dma_semaphore, #tpu.memory_space<semaphore_mem>>)
      %dma_wait3A_557 = arith.constant 0 : i32
      %dma_wait3A_558 = arith.constant 0 : i32
      %dma_wait3A_559 = tpu.memref_slice %arg7[%run_scoped3A_538, %dma_wait3A_557, %dma_wait3A_558] : memref<6x4x128xf32, #tpu.memory_space<vmem>> -> memref<1x4x128xf32, #tpu.memory_space<vmem>>
      %dma_wait3A_560 = tpu.memref_squeeze %dma_wait3A_559 : memref<1x4x128xf32, #tpu.memory_space<vmem>> -> memref<4x128xf32, #tpu.memory_space<vmem>>
      %dma_wait3A_561 = arith.constant 0 : i32
      %dma_wait3A_562 = arith.constant 0 : i32
      %dma_wait3A_563 = tpu.memref_slice %arg5[%run_scoped3A_539, %add3A, %dma_wait3A_561, %dma_wait3A_562] : memref<6x32x4x128xf32, #tpu.memory_space<hbm>> -> memref<1x1x4x128xf32, #tpu.memory_space<hbm>>
      %dma_wait3A_564 = tpu.memref_squeeze %dma_wait3A_563 : memref<1x1x4x128xf32, #tpu.memory_space<hbm>> -> memref<4x128xf32, #tpu.memory_space<hbm>>
      %dma_wait3A_565 = arith.constant 0 : i32
      %dma_wait3A_566 = arith.constant 0 : i32
      %dma_wait3A_567 = tpu.memref_slice %arg5[%run_scoped3A_539, %add3A, %dma_wait3A_565, %dma_wait3A_566] : memref<6x32x4x128xf32, #tpu.memory_space<hbm>> -> memref<1x1x4x128xf32, #tpu.memory_space<hbm>>
      %dma_wait3A_568 = tpu.memref_squeeze %dma_wait3A_567 : memref<1x1x4x128xf32, #tpu.memory_space<hbm>> -> memref<4x128xf32, #tpu.memory_space<hbm>>
      %dma_wait3A_569 = arith.constant 0 : i32
      %dma_wait3A_570 = arith.constant 0 : i32
      %dma_wait3A_571 = tpu.memref_slice %arg7[%run_scoped3A_538, %dma_wait3A_569, %dma_wait3A_570] : memref<6x4x128xf32, #tpu.memory_space<vmem>> -> memref<1x4x128xf32, #tpu.memory_space<vmem>>
      %dma_wait3A_572 = tpu.memref_squeeze %dma_wait3A_571 : memref<1x4x128xf32, #tpu.memory_space<vmem>> -> memref<4x128xf32, #tpu.memory_space<vmem>>
      tpu.wait_dma2 semaphore(%run_scoped3A_540 : memref<!tpu.dma_semaphore, #tpu.memory_space<semaphore_mem>>) src(%dma_wait3A_572 : memref<4x128xf32, #tpu.memory_space<vmem>>) dst(%dma_wait3A_568 : memref<4x128xf32, #tpu.memory_space<hbm>>)
      tpu.yield
    }) : () -> ()
    return
  }
}

module attributes {stable_mosaic.version = 14 : i64} {
  func.func @_tc_body(%arg0: memref<6x128x128xf32, #tpu.memory_space<vmem>>, %arg1: memref<12x128x128xf32, #tpu.memory_space<vmem>>, %arg2: memref<3x128x4x128xf32, #tpu.memory_space<vmem>>) attributes {dimension_semantics = [], scalar_prefetch = 0 : i64, scratch_operands = 0 : i64, tpu.core_type = #tpu.core_type<tc>} {
    %get3A = arith.constant 0 : index
    %get3A_0 = arith.constant 0 : index
    %get3A_1 = arith.constant 0 : index
    %get3A_2 = vector.load %arg0[%get3A, %get3A_0, %get3A_1] : memref<6x128x128xf32, #tpu.memory_space<vmem>>, vector<1x128x128xf32>
    %get3A_3 = vector.shape_cast %get3A_2 : vector<1x128x128xf32> to vector<128x128xf32>
    %get3A_4 = arith.constant 1 : index
    %get3A_5 = arith.constant 0 : index
    %get3A_6 = arith.constant 0 : index
    %get3A_7 = vector.load %arg0[%get3A_4, %get3A_5, %get3A_6] : memref<6x128x128xf32, #tpu.memory_space<vmem>>, vector<1x128x128xf32>
    %get3A_8 = vector.shape_cast %get3A_7 : vector<1x128x128xf32> to vector<128x128xf32>
    %get3A_9 = arith.constant 2 : index
    %get3A_10 = arith.constant 0 : index
    %get3A_11 = arith.constant 0 : index
    %get3A_12 = vector.load %arg0[%get3A_9, %get3A_10, %get3A_11] : memref<6x128x128xf32, #tpu.memory_space<vmem>>, vector<1x128x128xf32>
    %get3A_13 = vector.shape_cast %get3A_12 : vector<1x128x128xf32> to vector<128x128xf32>
    %mul3A = arith.mulf %get3A_3, %get3A_3 : vector<128x128xf32>
    %mul3A_14 = arith.mulf %get3A_8, %get3A_8 : vector<128x128xf32>
    %mul3A_15 = arith.mulf %get3A_13, %get3A_13 : vector<128x128xf32>
    %add3A = arith.addf %mul3A, %mul3A_14 : vector<128x128xf32>
    %add3A_16 = arith.addf %add3A, %mul3A_15 : vector<128x128xf32>
    %sqrt3A = math.sqrt %add3A_16 : vector<128x128xf32>
    %add3A_17 = arith.constant 1.000000e-07 : f32
    %add3A_18 = vector.broadcast %add3A_17 : f32 to vector<128x128xf32>
    %add3A_19 = arith.addf %sqrt3A, %add3A_18 : vector<128x128xf32>
    %sin3A = math.sin %add3A_19 : vector<128x128xf32>
    %div3A = arith.divf %sin3A, %add3A_19 : vector<128x128xf32>
    %cos3A = math.cos %add3A_19 : vector<128x128xf32>
    %sub3A = arith.constant 1.000000e+00 : f32
    %sub3A_20 = vector.broadcast %sub3A : f32 to vector<128x128xf32>
    %sub3A_21 = arith.subf %sub3A_20, %cos3A : vector<128x128xf32>
    %mul3A_22 = arith.mulf %add3A_19, %add3A_19 : vector<128x128xf32>
    %div3A_23 = arith.divf %sub3A_21, %mul3A_22 : vector<128x128xf32>
    %mul3A_24 = arith.mulf %div3A, %get3A_3 : vector<128x128xf32>
    %mul3A_25 = arith.mulf %div3A, %get3A_8 : vector<128x128xf32>
    %mul3A_26 = arith.mulf %div3A, %get3A_13 : vector<128x128xf32>
    %mul3A_27 = arith.mulf %div3A_23, %get3A_3 : vector<128x128xf32>
    %mul3A_28 = arith.mulf %mul3A_27, %get3A_8 : vector<128x128xf32>
    %mul3A_29 = arith.mulf %div3A_23, %get3A_3 : vector<128x128xf32>
    %mul3A_30 = arith.mulf %mul3A_29, %get3A_13 : vector<128x128xf32>
    %mul3A_31 = arith.mulf %div3A_23, %get3A_8 : vector<128x128xf32>
    %mul3A_32 = arith.mulf %mul3A_31, %get3A_13 : vector<128x128xf32>
    %sub3A_33 = arith.subf %mul3A, %add3A_16 : vector<128x128xf32>
    %mul3A_34 = arith.mulf %div3A_23, %sub3A_33 : vector<128x128xf32>
    %add3A_35 = arith.constant 1.000000e+00 : f32
    %add3A_36 = vector.broadcast %add3A_35 : f32 to vector<128x128xf32>
    %add3A_37 = arith.addf %add3A_36, %mul3A_34 : vector<128x128xf32>
    %sub3A_38 = arith.subf %mul3A_28, %mul3A_26 : vector<128x128xf32>
    %add3A_39 = arith.addf %mul3A_30, %mul3A_25 : vector<128x128xf32>
    %add3A_40 = arith.addf %mul3A_28, %mul3A_26 : vector<128x128xf32>
    %sub3A_41 = arith.subf %mul3A_14, %add3A_16 : vector<128x128xf32>
    %mul3A_42 = arith.mulf %div3A_23, %sub3A_41 : vector<128x128xf32>
    %add3A_43 = arith.constant 1.000000e+00 : f32
    %add3A_44 = vector.broadcast %add3A_43 : f32 to vector<128x128xf32>
    %add3A_45 = arith.addf %add3A_44, %mul3A_42 : vector<128x128xf32>
    %sub3A_46 = arith.subf %mul3A_32, %mul3A_24 : vector<128x128xf32>
    %sub3A_47 = arith.subf %mul3A_30, %mul3A_25 : vector<128x128xf32>
    %add3A_48 = arith.addf %mul3A_32, %mul3A_24 : vector<128x128xf32>
    %sub3A_49 = arith.subf %mul3A_15, %add3A_16 : vector<128x128xf32>
    %mul3A_50 = arith.mulf %div3A_23, %sub3A_49 : vector<128x128xf32>
    %add3A_51 = arith.constant 1.000000e+00 : f32
    %add3A_52 = vector.broadcast %add3A_51 : f32 to vector<128x128xf32>
    %add3A_53 = arith.addf %add3A_52, %mul3A_50 : vector<128x128xf32>
    %get3A_54 = arith.constant 0 : index
    %get3A_55 = arith.constant 0 : index
    %get3A_56 = arith.constant 0 : index
    %get3A_57 = vector.load %arg1[%get3A_54, %get3A_55, %get3A_56] : memref<12x128x128xf32, #tpu.memory_space<vmem>>, vector<1x128x128xf32>
    %get3A_58 = vector.shape_cast %get3A_57 : vector<1x128x128xf32> to vector<128x128xf32>
    %get3A_59 = arith.constant 1 : index
    %get3A_60 = arith.constant 0 : index
    %get3A_61 = arith.constant 0 : index
    %get3A_62 = vector.load %arg1[%get3A_59, %get3A_60, %get3A_61] : memref<12x128x128xf32, #tpu.memory_space<vmem>>, vector<1x128x128xf32>
    %get3A_63 = vector.shape_cast %get3A_62 : vector<1x128x128xf32> to vector<128x128xf32>
    %get3A_64 = arith.constant 2 : index
    %get3A_65 = arith.constant 0 : index
    %get3A_66 = arith.constant 0 : index
    %get3A_67 = vector.load %arg1[%get3A_64, %get3A_65, %get3A_66] : memref<12x128x128xf32, #tpu.memory_space<vmem>>, vector<1x128x128xf32>
    %get3A_68 = vector.shape_cast %get3A_67 : vector<1x128x128xf32> to vector<128x128xf32>
    %get3A_69 = arith.constant 3 : index
    %get3A_70 = arith.constant 0 : index
    %get3A_71 = arith.constant 0 : index
    %get3A_72 = vector.load %arg1[%get3A_69, %get3A_70, %get3A_71] : memref<12x128x128xf32, #tpu.memory_space<vmem>>, vector<1x128x128xf32>
    %get3A_73 = vector.shape_cast %get3A_72 : vector<1x128x128xf32> to vector<128x128xf32>
    %get3A_74 = arith.constant 4 : index
    %get3A_75 = arith.constant 0 : index
    %get3A_76 = arith.constant 0 : index
    %get3A_77 = vector.load %arg1[%get3A_74, %get3A_75, %get3A_76] : memref<12x128x128xf32, #tpu.memory_space<vmem>>, vector<1x128x128xf32>
    %get3A_78 = vector.shape_cast %get3A_77 : vector<1x128x128xf32> to vector<128x128xf32>
    %get3A_79 = arith.constant 5 : index
    %get3A_80 = arith.constant 0 : index
    %get3A_81 = arith.constant 0 : index
    %get3A_82 = vector.load %arg1[%get3A_79, %get3A_80, %get3A_81] : memref<12x128x128xf32, #tpu.memory_space<vmem>>, vector<1x128x128xf32>
    %get3A_83 = vector.shape_cast %get3A_82 : vector<1x128x128xf32> to vector<128x128xf32>
    %get3A_84 = arith.constant 6 : index
    %get3A_85 = arith.constant 0 : index
    %get3A_86 = arith.constant 0 : index
    %get3A_87 = vector.load %arg1[%get3A_84, %get3A_85, %get3A_86] : memref<12x128x128xf32, #tpu.memory_space<vmem>>, vector<1x128x128xf32>
    %get3A_88 = vector.shape_cast %get3A_87 : vector<1x128x128xf32> to vector<128x128xf32>
    %get3A_89 = arith.constant 7 : index
    %get3A_90 = arith.constant 0 : index
    %get3A_91 = arith.constant 0 : index
    %get3A_92 = vector.load %arg1[%get3A_89, %get3A_90, %get3A_91] : memref<12x128x128xf32, #tpu.memory_space<vmem>>, vector<1x128x128xf32>
    %get3A_93 = vector.shape_cast %get3A_92 : vector<1x128x128xf32> to vector<128x128xf32>
    %get3A_94 = arith.constant 8 : index
    %get3A_95 = arith.constant 0 : index
    %get3A_96 = arith.constant 0 : index
    %get3A_97 = vector.load %arg1[%get3A_94, %get3A_95, %get3A_96] : memref<12x128x128xf32, #tpu.memory_space<vmem>>, vector<1x128x128xf32>
    %get3A_98 = vector.shape_cast %get3A_97 : vector<1x128x128xf32> to vector<128x128xf32>
    %get3A_99 = arith.constant 9 : index
    %get3A_100 = arith.constant 0 : index
    %get3A_101 = arith.constant 0 : index
    %get3A_102 = vector.load %arg1[%get3A_99, %get3A_100, %get3A_101] : memref<12x128x128xf32, #tpu.memory_space<vmem>>, vector<1x128x128xf32>
    %get3A_103 = vector.shape_cast %get3A_102 : vector<1x128x128xf32> to vector<128x128xf32>
    %get3A_104 = arith.constant 10 : index
    %get3A_105 = arith.constant 0 : index
    %get3A_106 = arith.constant 0 : index
    %get3A_107 = vector.load %arg1[%get3A_104, %get3A_105, %get3A_106] : memref<12x128x128xf32, #tpu.memory_space<vmem>>, vector<1x128x128xf32>
    %get3A_108 = vector.shape_cast %get3A_107 : vector<1x128x128xf32> to vector<128x128xf32>
    %get3A_109 = arith.constant 11 : index
    %get3A_110 = arith.constant 0 : index
    %get3A_111 = arith.constant 0 : index
    %get3A_112 = vector.load %arg1[%get3A_109, %get3A_110, %get3A_111] : memref<12x128x128xf32, #tpu.memory_space<vmem>>, vector<1x128x128xf32>
    %get3A_113 = vector.shape_cast %get3A_112 : vector<1x128x128xf32> to vector<128x128xf32>
    %mul3A_114 = arith.mulf %add3A_37, %get3A_58 : vector<128x128xf32>
    %mul3A_115 = arith.mulf %sub3A_38, %get3A_78 : vector<128x128xf32>
    %add3A_116 = arith.addf %mul3A_114, %mul3A_115 : vector<128x128xf32>
    %mul3A_117 = arith.mulf %add3A_39, %get3A_98 : vector<128x128xf32>
    %add3A_118 = arith.addf %add3A_116, %mul3A_117 : vector<128x128xf32>
    %swap3A = arith.constant 0 : index
    %swap3A_119 = arith.constant 0 : index
    %swap3A_120 = arith.constant 0 : index
    %swap3A_121 = arith.constant 0 : index
    %swap3A_122 = vector.load %arg2[%swap3A, %swap3A_119, %swap3A_120, %swap3A_121] : memref<3x128x4x128xf32, #tpu.memory_space<vmem>>, vector<1x128x1x128xf32>
    %swap3A_123 = vector.shape_cast %swap3A_122 : vector<1x128x1x128xf32> to vector<128x128xf32>
    %swap3A_124 = vector.shape_cast %add3A_118 : vector<128x128xf32> to vector<1x128x1x128xf32>
    tpu.vector_store %arg2[%swap3A, %swap3A_119, %swap3A_120, %swap3A_121], %swap3A_124 {strides = array<i32>} : memref<3x128x4x128xf32, #tpu.memory_space<vmem>>, vector<1x128x1x128xf32>,
    %mul3A_125 = arith.mulf %add3A_37, %get3A_63 : vector<128x128xf32>
    %mul3A_126 = arith.mulf %sub3A_38, %get3A_83 : vector<128x128xf32>
    %add3A_127 = arith.addf %mul3A_125, %mul3A_126 : vector<128x128xf32>
    %mul3A_128 = arith.mulf %add3A_39, %get3A_103 : vector<128x128xf32>
    %add3A_129 = arith.addf %add3A_127, %mul3A_128 : vector<128x128xf32>
    %swap3A_130 = arith.constant 0 : index
    %swap3A_131 = arith.constant 0 : index
    %swap3A_132 = arith.constant 1 : index
    %swap3A_133 = arith.constant 0 : index
    %swap3A_134 = vector.load %arg2[%swap3A_130, %swap3A_131, %swap3A_132, %swap3A_133] : memref<3x128x4x128xf32, #tpu.memory_space<vmem>>, vector<1x128x1x128xf32>
    %swap3A_135 = vector.shape_cast %swap3A_134 : vector<1x128x1x128xf32> to vector<128x128xf32>
    %swap3A_136 = vector.shape_cast %add3A_129 : vector<128x128xf32> to vector<1x128x1x128xf32>
    tpu.vector_store %arg2[%swap3A_130, %swap3A_131, %swap3A_132, %swap3A_133], %swap3A_136 {strides = array<i32>} : memref<3x128x4x128xf32, #tpu.memory_space<vmem>>, vector<1x128x1x128xf32>,
    %mul3A_137 = arith.mulf %add3A_37, %get3A_68 : vector<128x128xf32>
    %mul3A_138 = arith.mulf %sub3A_38, %get3A_88 : vector<128x128xf32>
    %add3A_139 = arith.addf %mul3A_137, %mul3A_138 : vector<128x128xf32>
    %mul3A_140 = arith.mulf %add3A_39, %get3A_108 : vector<128x128xf32>
    %add3A_141 = arith.addf %add3A_139, %mul3A_140 : vector<128x128xf32>
    %swap3A_142 = arith.constant 0 : index
    %swap3A_143 = arith.constant 0 : index
    %swap3A_144 = arith.constant 2 : index
    %swap3A_145 = arith.constant 0 : index
    %swap3A_146 = vector.load %arg2[%swap3A_142, %swap3A_143, %swap3A_144, %swap3A_145] : memref<3x128x4x128xf32, #tpu.memory_space<vmem>>, vector<1x128x1x128xf32>
    %swap3A_147 = vector.shape_cast %swap3A_146 : vector<1x128x1x128xf32> to vector<128x128xf32>
    %swap3A_148 = vector.shape_cast %add3A_141 : vector<128x128xf32> to vector<1x128x1x128xf32>
    tpu.vector_store %arg2[%swap3A_142, %swap3A_143, %swap3A_144, %swap3A_145], %swap3A_148 {strides = array<i32>} : memref<3x128x4x128xf32, #tpu.memory_space<vmem>>, vector<1x128x1x128xf32>,
    %get3A_149 = arith.constant 3 : index
    %get3A_150 = arith.constant 0 : index
    %get3A_151 = arith.constant 0 : index
    %get3A_152 = vector.load %arg0[%get3A_149, %get3A_150, %get3A_151] : memref<6x128x128xf32, #tpu.memory_space<vmem>>, vector<1x128x128xf32>
    %get3A_153 = vector.shape_cast %get3A_152 : vector<1x128x128xf32> to vector<128x128xf32>
    %add3A_154 = arith.addf %get3A_73, %get3A_153 : vector<128x128xf32>
    %swap3A_155 = arith.constant 0 : index
    %swap3A_156 = arith.constant 0 : index
    %swap3A_157 = arith.constant 3 : index
    %swap3A_158 = arith.constant 0 : index
    %swap3A_159 = vector.load %arg2[%swap3A_155, %swap3A_156, %swap3A_157, %swap3A_158] : memref<3x128x4x128xf32, #tpu.memory_space<vmem>>, vector<1x128x1x128xf32>
    %swap3A_160 = vector.shape_cast %swap3A_159 : vector<1x128x1x128xf32> to vector<128x128xf32>
    %swap3A_161 = vector.shape_cast %add3A_154 : vector<128x128xf32> to vector<1x128x1x128xf32>
    tpu.vector_store %arg2[%swap3A_155, %swap3A_156, %swap3A_157, %swap3A_158], %swap3A_161 {strides = array<i32>} : memref<3x128x4x128xf32, #tpu.memory_space<vmem>>, vector<1x128x1x128xf32>,
    %mul3A_162 = arith.mulf %add3A_40, %get3A_58 : vector<128x128xf32>
    %mul3A_163 = arith.mulf %add3A_45, %get3A_78 : vector<128x128xf32>
    %add3A_164 = arith.addf %mul3A_162, %mul3A_163 : vector<128x128xf32>
    %mul3A_165 = arith.mulf %sub3A_46, %get3A_98 : vector<128x128xf32>
    %add3A_166 = arith.addf %add3A_164, %mul3A_165 : vector<128x128xf32>
    %swap3A_167 = arith.constant 1 : index
    %swap3A_168 = arith.constant 0 : index
    %swap3A_169 = arith.constant 0 : index
    %swap3A_170 = arith.constant 0 : index
    %swap3A_171 = vector.load %arg2[%swap3A_167, %swap3A_168, %swap3A_169, %swap3A_170] : memref<3x128x4x128xf32, #tpu.memory_space<vmem>>, vector<1x128x1x128xf32>
    %swap3A_172 = vector.shape_cast %swap3A_171 : vector<1x128x1x128xf32> to vector<128x128xf32>
    %swap3A_173 = vector.shape_cast %add3A_166 : vector<128x128xf32> to vector<1x128x1x128xf32>
    tpu.vector_store %arg2[%swap3A_167, %swap3A_168, %swap3A_169, %swap3A_170], %swap3A_173 {strides = array<i32>} : memref<3x128x4x128xf32, #tpu.memory_space<vmem>>, vector<1x128x1x128xf32>,
    %mul3A_174 = arith.mulf %add3A_40, %get3A_63 : vector<128x128xf32>
    %mul3A_175 = arith.mulf %add3A_45, %get3A_83 : vector<128x128xf32>
    %add3A_176 = arith.addf %mul3A_174, %mul3A_175 : vector<128x128xf32>
    %mul3A_177 = arith.mulf %sub3A_46, %get3A_103 : vector<128x128xf32>
    %add3A_178 = arith.addf %add3A_176, %mul3A_177 : vector<128x128xf32>
    %swap3A_179 = arith.constant 1 : index
    %swap3A_180 = arith.constant 0 : index
    %swap3A_181 = arith.constant 1 : index
    %swap3A_182 = arith.constant 0 : index
    %swap3A_183 = vector.load %arg2[%swap3A_179, %swap3A_180, %swap3A_181, %swap3A_182] : memref<3x128x4x128xf32, #tpu.memory_space<vmem>>, vector<1x128x1x128xf32>
    %swap3A_184 = vector.shape_cast %swap3A_183 : vector<1x128x1x128xf32> to vector<128x128xf32>
    %swap3A_185 = vector.shape_cast %add3A_178 : vector<128x128xf32> to vector<1x128x1x128xf32>
    tpu.vector_store %arg2[%swap3A_179, %swap3A_180, %swap3A_181, %swap3A_182], %swap3A_185 {strides = array<i32>} : memref<3x128x4x128xf32, #tpu.memory_space<vmem>>, vector<1x128x1x128xf32>,
    %mul3A_186 = arith.mulf %add3A_40, %get3A_68 : vector<128x128xf32>
    %mul3A_187 = arith.mulf %add3A_45, %get3A_88 : vector<128x128xf32>
    %add3A_188 = arith.addf %mul3A_186, %mul3A_187 : vector<128x128xf32>
    %mul3A_189 = arith.mulf %sub3A_46, %get3A_108 : vector<128x128xf32>
    %add3A_190 = arith.addf %add3A_188, %mul3A_189 : vector<128x128xf32>
    %swap3A_191 = arith.constant 1 : index
    %swap3A_192 = arith.constant 0 : index
    %swap3A_193 = arith.constant 2 : index
    %swap3A_194 = arith.constant 0 : index
    %swap3A_195 = vector.load %arg2[%swap3A_191, %swap3A_192, %swap3A_193, %swap3A_194] : memref<3x128x4x128xf32, #tpu.memory_space<vmem>>, vector<1x128x1x128xf32>
    %swap3A_196 = vector.shape_cast %swap3A_195 : vector<1x128x1x128xf32> to vector<128x128xf32>
    %swap3A_197 = vector.shape_cast %add3A_190 : vector<128x128xf32> to vector<1x128x1x128xf32>
    tpu.vector_store %arg2[%swap3A_191, %swap3A_192, %swap3A_193, %swap3A_194], %swap3A_197 {strides = array<i32>} : memref<3x128x4x128xf32, #tpu.memory_space<vmem>>, vector<1x128x1x128xf32>,
    %get3A_198 = arith.constant 4 : index
    %get3A_199 = arith.constant 0 : index
    %get3A_200 = arith.constant 0 : index
    %get3A_201 = vector.load %arg0[%get3A_198, %get3A_199, %get3A_200] : memref<6x128x128xf32, #tpu.memory_space<vmem>>, vector<1x128x128xf32>
    %get3A_202 = vector.shape_cast %get3A_201 : vector<1x128x128xf32> to vector<128x128xf32>
    %add3A_203 = arith.addf %get3A_93, %get3A_202 : vector<128x128xf32>
    %swap3A_204 = arith.constant 1 : index
    %swap3A_205 = arith.constant 0 : index
    %swap3A_206 = arith.constant 3 : index
    %swap3A_207 = arith.constant 0 : index
    %swap3A_208 = vector.load %arg2[%swap3A_204, %swap3A_205, %swap3A_206, %swap3A_207] : memref<3x128x4x128xf32, #tpu.memory_space<vmem>>, vector<1x128x1x128xf32>
    %swap3A_209 = vector.shape_cast %swap3A_208 : vector<1x128x1x128xf32> to vector<128x128xf32>
    %swap3A_210 = vector.shape_cast %add3A_203 : vector<128x128xf32> to vector<1x128x1x128xf32>
    tpu.vector_store %arg2[%swap3A_204, %swap3A_205, %swap3A_206, %swap3A_207], %swap3A_210 {strides = array<i32>} : memref<3x128x4x128xf32, #tpu.memory_space<vmem>>, vector<1x128x1x128xf32>,
    %mul3A_211 = arith.mulf %sub3A_47, %get3A_58 : vector<128x128xf32>
    %mul3A_212 = arith.mulf %add3A_48, %get3A_78 : vector<128x128xf32>
    %add3A_213 = arith.addf %mul3A_211, %mul3A_212 : vector<128x128xf32>
    %mul3A_214 = arith.mulf %add3A_53, %get3A_98 : vector<128x128xf32>
    %add3A_215 = arith.addf %add3A_213, %mul3A_214 : vector<128x128xf32>
    %swap3A_216 = arith.constant 2 : index
    %swap3A_217 = arith.constant 0 : index
    %swap3A_218 = arith.constant 0 : index
    %swap3A_219 = arith.constant 0 : index
    %swap3A_220 = vector.load %arg2[%swap3A_216, %swap3A_217, %swap3A_218, %swap3A_219] : memref<3x128x4x128xf32, #tpu.memory_space<vmem>>, vector<1x128x1x128xf32>
    %swap3A_221 = vector.shape_cast %swap3A_220 : vector<1x128x1x128xf32> to vector<128x128xf32>
    %swap3A_222 = vector.shape_cast %add3A_215 : vector<128x128xf32> to vector<1x128x1x128xf32>
    tpu.vector_store %arg2[%swap3A_216, %swap3A_217, %swap3A_218, %swap3A_219], %swap3A_222 {strides = array<i32>} : memref<3x128x4x128xf32, #tpu.memory_space<vmem>>, vector<1x128x1x128xf32>,
    %mul3A_223 = arith.mulf %sub3A_47, %get3A_63 : vector<128x128xf32>
    %mul3A_224 = arith.mulf %add3A_48, %get3A_83 : vector<128x128xf32>
    %add3A_225 = arith.addf %mul3A_223, %mul3A_224 : vector<128x128xf32>
    %mul3A_226 = arith.mulf %add3A_53, %get3A_103 : vector<128x128xf32>
    %add3A_227 = arith.addf %add3A_225, %mul3A_226 : vector<128x128xf32>
    %swap3A_228 = arith.constant 2 : index
    %swap3A_229 = arith.constant 0 : index
    %swap3A_230 = arith.constant 1 : index
    %swap3A_231 = arith.constant 0 : index
    %swap3A_232 = vector.load %arg2[%swap3A_228, %swap3A_229, %swap3A_230, %swap3A_231] : memref<3x128x4x128xf32, #tpu.memory_space<vmem>>, vector<1x128x1x128xf32>
    %swap3A_233 = vector.shape_cast %swap3A_232 : vector<1x128x1x128xf32> to vector<128x128xf32>
    %swap3A_234 = vector.shape_cast %add3A_227 : vector<128x128xf32> to vector<1x128x1x128xf32>
    tpu.vector_store %arg2[%swap3A_228, %swap3A_229, %swap3A_230, %swap3A_231], %swap3A_234 {strides = array<i32>} : memref<3x128x4x128xf32, #tpu.memory_space<vmem>>, vector<1x128x1x128xf32>,
    %mul3A_235 = arith.mulf %sub3A_47, %get3A_68 : vector<128x128xf32>
    %mul3A_236 = arith.mulf %add3A_48, %get3A_88 : vector<128x128xf32>
    %add3A_237 = arith.addf %mul3A_235, %mul3A_236 : vector<128x128xf32>
    %mul3A_238 = arith.mulf %add3A_53, %get3A_108 : vector<128x128xf32>
    %add3A_239 = arith.addf %add3A_237, %mul3A_238 : vector<128x128xf32>
    %swap3A_240 = arith.constant 2 : index
    %swap3A_241 = arith.constant 0 : index
    %swap3A_242 = arith.constant 2 : index
    %swap3A_243 = arith.constant 0 : index
    %swap3A_244 = vector.load %arg2[%swap3A_240, %swap3A_241, %swap3A_242, %swap3A_243] : memref<3x128x4x128xf32, #tpu.memory_space<vmem>>, vector<1x128x1x128xf32>
    %swap3A_245 = vector.shape_cast %swap3A_244 : vector<1x128x1x128xf32> to vector<128x128xf32>
    %swap3A_246 = vector.shape_cast %add3A_239 : vector<128x128xf32> to vector<1x128x1x128xf32>
    tpu.vector_store %arg2[%swap3A_240, %swap3A_241, %swap3A_242, %swap3A_243], %swap3A_246 {strides = array<i32>} : memref<3x128x4x128xf32, #tpu.memory_space<vmem>>, vector<1x128x1x128xf32>,
    %get3A_247 = arith.constant 5 : index
    %get3A_248 = arith.constant 0 : index
    %get3A_249 = arith.constant 0 : index
    %get3A_250 = vector.load %arg0[%get3A_247, %get3A_248, %get3A_249] : memref<6x128x128xf32, #tpu.memory_space<vmem>>, vector<1x128x128xf32>
    %get3A_251 = vector.shape_cast %get3A_250 : vector<1x128x128xf32> to vector<128x128xf32>
    %add3A_252 = arith.addf %get3A_113, %get3A_251 : vector<128x128xf32>
    %swap3A_253 = arith.constant 2 : index
    %swap3A_254 = arith.constant 0 : index
    %swap3A_255 = arith.constant 3 : index
    %swap3A_256 = arith.constant 0 : index
    %swap3A_257 = vector.load %arg2[%swap3A_253, %swap3A_254, %swap3A_255, %swap3A_256] : memref<3x128x4x128xf32, #tpu.memory_space<vmem>>, vector<1x128x1x128xf32>
    %swap3A_258 = vector.shape_cast %swap3A_257 : vector<1x128x1x128xf32> to vector<128x128xf32>
    %swap3A_259 = vector.shape_cast %add3A_252 : vector<128x128xf32> to vector<1x128x1x128xf32>
    tpu.vector_store %arg2[%swap3A_253, %swap3A_254, %swap3A_255, %swap3A_256], %swap3A_259 {strides = array<i32>} : memref<3x128x4x128xf32, #tpu.memory_space<vmem>>, vector<1x128x1x128xf32>,
    return
  }
}

</mosaic_0001>

<sc_bundles>
// kernel: kernel.4.cloned.1.call-start
scs
__scs_entry_jumppad:
0x0: {  	(pc) =	sbr.rel $0x88, $3  }
0x1: {  	(tag) =	ssettag $0x0;
	lr =	simm.s32 $0x1  }
0x2: {  	[smem:$0x3F9D] =	sst lr;
	_ =	strace $0xD0000000  }
0x3: {  	_ = 	snop  }
0x4: {  	_ = 	snop  }
0x5: {  	_ = 	snop  }
0x6: {  	_ = 	snop  }
0x7: {  	_ = 	snop  }
__scs_overlays_trampoline_lowered:
0x8: {  	[smem:$0x3FAC] =	sst s0  }
0x9: {  	[smem:$0x3FAD] =	sst s1  }
0xa: {  	[smem:$0x3FAE] =	sst s2  }
0xb: {  	[smem:$0x3FAF] =	sst s3  }
0xc: {  	[smem:$0x3FB0] =	sst s4  }
0xd: {  	[smem:$0x3FB1] =	sst s5  }
0xe: {  	[smem:$0x3FB2] =	sst s6  }
0xf: {  	[smem:$0x3FB3] =	sst s7  }
0x10: {  	[smem:$0x3FB4] =	sst s8  }
0x11: {  	[smem:$0x3FB5] =	sst s9;
	s0 =	simm.s32 @!p0 $0x0  }
0x12: {  	s1 =	sld [smem:$0x3F9B];
	s0 =	simm.s32 @p0 $0x1  }
0x13: {  	[smem:$0x3FB6] =	sst s0;
	s0 =	simm.s32 @!p1 $0x0  }
0x14: {  	s2 =	sld [smem:$0x3F9A];
	s0 =	simm.s32 @p1 $0x1  }
0x15: {  	[smem:$0x3FB7] =	sst s0;
	s0 =	simm.s32 @!p2 $0x0  }
0x16: {  	s3 =	sld [smem:$0x3FDB];
	s0 =	simm.s32 @p2 $0x1  }
0x17: {  	s4 =	simm.s32 $0x1BF5;
	[smem:$0x3FB9] =	sst s0  }
0x18: {  	s0 =	sld [smem:$0x3F9C];
	_ =	swait.ge [sflag:s4], $0x0  }
0x19: {  	s7 =	sld [smem:$0x3F9D]  }
0x1a: {  	s8 =	sadd.s32 $0xFFFFE003, lr  }
0x1b: {  	s9 =	sadd.s32 $0xFFFFFEF7, lr;
	s5 =	simm.s32 $0xFFFFFFFF;
	p2 =	slt.u32 s8, $0xFFFFF086  }
0x1c: {  	p1 =	slt.u32 s9, $0xF7A;
	s5 =	simm.s32 @!p2 $0x0  }
0x1d: {  	s5 =	simm.s32 @p1 $0x1;
	p0 =	seq.s32 s7, s2  }
0x1e: {  	s7 =	smul.u32 @!p0 $0xF7A, s2;
	p2 =	seq.s32 @!p0 s5, $0x0  }
0x1f: {  	s9 =	smul.u32 $0xF7A, s1;
	s8 =	simm.s32 @!p0 $0x1BF5;
	p2 =	por !p2, p0  }
0x20: {  	[sflag:s8] =	ssyncset.s32 @!p0 $0xFFFFF086;
	s6 =	sadd.s32 @!p0 s3, s7;
	s7 =	simm.s32 @!p0 $0x108  }
0x21: {  	s3 =	sadd.s32 s3, s9;
	s6 =	sadd.s32 @!p0 $0x88, s6;
	s7 =	simm.s32 @p2 $0x1082  }
0x22: {  	[simem:s7], [sflag:s8] =	dma.local @!p0 [hbm:s6], $0xF7A  }
0x23: {  	s9 =	sor.u32 $0xD0000000, s2;
	s6 =	simm.s32 $0x108;
	_ =	swait.ge @!p0 [sflag:s8], $0x0  }
0x24: {  	s3 =	sadd.s32 $0x88, s3;
	s6 =	simm.s32 @!p1 $0x1082;
	[sflag:s4] =	ssyncset.s32 $0xFFFFF086  }
0x25: {  	[simem:s6], [sflag:s4] =	dma.local [hbm:s3], $0xF7A  }
0x26: {  	[smem:$0x3F9D] =	sst s1;
	(tag) =	ssettag s2;
	_ =	strace s9  }
0x27: {  	s1 =	sld [smem:$0x3FAD]  }
0x28: {  	s2 =	sld [smem:$0x3FAE]  }
0x29: {  	s4 =	sld [smem:$0x3FB0]  }
0x2a: {  	p0 =	seq.s32 s5, $0x0;
	s5 =	sld [smem:$0x3FB1]  }
0x2b: {  	s6 =	sld [smem:$0x3FB2]  }
0x2c: {  	s7 =	sld [smem:$0x3FB3]  }
0x2d: {  	s3 =	simm.s32 $0x108;
	s8 =	sld [smem:$0x3FB4]  }
0x2e: {  	s3 =	simm.s32 @!p0 $0x1082;
	s9 =	sld [smem:$0x3FB5]  }
0x2f: {  	lr =	sadd.s32 s0, s3;
	s0 =	sld [smem:$0x3FAC]  }
0x30: {  	s3 =	sld [smem:$0x3FAF]  }
0x31: {  	[smem:$0x3FB8] =	sst s10  }
0x32: {  	s10 =	sld [smem:$0x3FB6];
	_ =	sdelay $0x3  }
0x33: {  	p0 =	seq.s32 s10, $0x1;
	s10 =	sld [smem:$0x3FB8];
	_ =	sdelay $0x3  }
0x34: {  	[smem:$0x3FB8] =	sst s10  }
0x35: {  	s10 =	sld [smem:$0x3FB7];
	_ =	sdelay $0x3  }
0x36: {  	p1 =	seq.s32 s10, $0x1;
	s10 =	sld [smem:$0x3FB8];
	_ =	sdelay $0x3  }
0x37: {  	[smem:$0x3FB8] =	sst s10  }
0x38: {  	s10 =	sld [smem:$0x3FB9]  }
0x39: {  	_ = 	snop;
	(pc) =	sbr.ind lr, $3  }
0x3a: {  	_ = 	snop  }
0x3b: {  	_ = 	snop  }
0x3c: {  	p2 =	seq.s32 s10, $0x1;
	s10 =	sld [smem:$0x3FB8]  }
0x3d: {  	_ =	shalt  }
0x3e: {  	_ =	shalt  }
0x3f: {  	_ =	shalt  }
0x40: {  	_ =	shalt  }
0x41: {  	_ =	shalt  }
0x42: {  	_ =	shalt  }
0x43: {  	_ =	shalt  }
0x44: {  	_ =	shalt  }
0x45: {  	_ =	shalt  }
0x46: {  	_ =	shalt  }
0x47: {  	_ =	shalt  }
0x48: {  	_ =	shalt  }
0x49: {  	_ =	shalt  }
0x4a: {  	_ =	shalt  }
0x4b: {  	_ =	shalt  }
0x4c: {  	_ =	shalt  }
0x4d: {  	_ =	shalt  }
0x4e: {  	_ =	shalt  }
0x4f: {  	_ =	shalt  }
0x50: {  	_ =	shalt  }
0x51: {  	_ =	shalt  }
0x52: {  	_ =	shalt  }
0x53: {  	_ =	shalt  }
0x54: {  	_ =	shalt  }
0x55: {  	_ =	shalt  }
0x56: {  	_ =	shalt  }
0x57: {  	_ =	shalt  }
0x58: {  	_ =	shalt  }
0x59: {  	_ =	shalt  }
0x5a: {  	_ =	shalt  }
0x5b: {  	_ =	shalt  }
0x5c: {  	_ =	shalt  }
0x5d: {  	_ =	shalt  }
0x5e: {  	_ =	shalt  }
0x5f: {  	_ =	shalt  }
0x60: {  	_ =	shalt  }
0x61: {  	_ =	shalt  }
0x62: {  	_ =	shalt  }
0x63: {  	_ =	shalt  }
0x64: {  	_ =	shalt  }
0x65: {  	_ =	shalt  }
0x66: {  	_ =	shalt  }
0x67: {  	_ =	shalt  }
0x68: {  	_ =	shalt  }
0x69: {  	_ =	shalt  }
0x6a: {  	_ =	shalt  }
0x6b: {  	_ =	shalt  }
0x6c: {  	_ =	shalt  }
0x6d: {  	_ =	shalt  }
0x6e: {  	_ =	shalt  }
0x6f: {  	_ =	shalt  }
0x70: {  	_ =	shalt  }
0x71: {  	_ =	shalt  }
0x72: {  	_ =	shalt  }
0x73: {  	_ =	shalt  }
0x74: {  	_ =	shalt  }
0x75: {  	_ =	shalt  }
0x76: {  	_ =	shalt  }
0x77: {  	_ =	shalt  }
0x78: {  	_ =	shalt  }
0x79: {  	_ =	shalt  }
0x7a: {  	_ =	shalt  }
0x7b: {  	_ =	shalt  }
0x7c: {  	_ =	shalt  }
0x7d: {  	_ =	shalt  }
0x7e: {  	_ =	shalt  }
0x7f: {  	_ =	shalt  }
0x80: {  	_ =	shalt  }
0x81: {  	_ =	shalt  }
0x82: {  	_ =	shalt  }
0x83: {  	_ =	shalt  }
0x84: {  	_ =	shalt  }
0x85: {  	_ =	shalt  }
0x86: {  	_ =	shalt  }
0x87: {  	_ =	shalt  }
.Lfunc_end0:
.L_simem_size_0:
called_computation_lowered:
.L_overlay_start_0:
0x88: {  	s2 =	sld [smem:$0x3FD9]  }
0x89: {  	s3 =	sld [smem:$0x3FFE];
	_ =	sdelay $0x1  }
0x8a: {  	s1 =	srdreg.scid  }
0x8b: {  	s0 =	sand.u32 $0x1, s1  }
0x8c: {  	s17 =	sshll.u32 s0, $0xA;
	s2 =	sadd.s32 s3, s2  }
0x8d: {  	s2 =	sadd.s32 s2, s17  }
0x8e: {  	[smem:$0x3FC4] =	sst s2  }
0x8f: {  	_ = 	snop  }
0x90: {  	s2 =	sld [smem:$0x3FC9]  }
0x91: {  	s18 =	sld [smem:$0x3FD0];
	(tm) =	ssettm $0x1  }
0x92: {  	s4 =	sld [smem:$0x3FFB];
	_ =	sdelay $0x3  }
0x93: {  	_ =	strace s4  }
0x94: {  	s4 =	sld [smem:$0x3FFC];
	_ =	sdelay $0x3  }
0x95: {  	_ =	strace s4  }
0x96: {  	s4 =	sld [smem:$0x3FFD];
	_ =	sdelay $0x3  }
0x97: {  	_ =	strace s4  }
0x98: {  	_ =	strace $0x8FFFFFFF  }
0x99: {  	s19 =	sld [smem:$0x3FDB];
	_ =	sdelay $0x1  }
0x9a: {  	s5 =	simm.s32 $_scs_section_size  }
0x9b: {  	s6 =	simm.s32 $_size__tile_overlayer_lowered;
	s7 =	simm.s32 $_tile_overlayer_lowered  }
0x9c: {  	s22 =	simm.s32 $0x1BFF;
	s21 =	sshll.u32 s7, $0x1;
	s4 =	sadd.s32 s5, s19  }
0x9d: {  	s8 =	simm.s32 $0x0;
	s20 =	sshll.u32 s6, $0x1;
	s6 =	sadd.s32 s21, s4  }
0x9e: {  	[timem:s8], [sflag:s22] =	dma.local [hbm:s6], s20  }
0x9f: {  	_ =	swait.ge [sflag:s22], s20  }
0xa0: {  	s5 =	ssub.s32 $0x0, s20;
	[sflag:s22] =	ssyncset.done $0x0  }
0xa1: {  	[sflag:s22] =	ssyncadd.s32 s5;
	_ =	sdelay $0x1  }
0xa2: {  	s23 =	simm.s32 $0x1B8B  }
0xa3: {  	_ =	swait.ge [sflag:s23], $0x1  }
0xa4: {  	[sflag:s23] =	ssyncset.done $0x0  }
0xa5: {  	s25 =	simm.s32 $0x1B8E;
	s24 =	sld [smem:$0x3FFE];
	[sflag:s23] =	ssyncadd.s32 $0xFFFFFFFF  }
0xa6: {  	s26 =	simm.s32 $execute0_lowered;
	[smem:$0x3FD2] =	sst s25  }
0xa7: {  	s6 =	sshll.u32 s26, $0x1;
	_ =	strace $0x80000046;
	[dreg:$0x1] =	wrdreg $0xFFFFFFFF  }
0xa8: {  	s28 =	simm.s32 $_size_execute0_lowered;
	s4 =	sadd.s32 s4, s6;
	[dreg:$0x0] =	wrdreg $0x0  }
0xa9: {  	s6 =	sshll.u32 s28, $0x1;
	[dreg:$0x2] =	wrdreg s4  }
0xaa: {  	[dreg:$0x3] =	wrdreg s6  }
0xab: {  	[dreg:$0x4] =	wrdreg $0xC0  }
0xac: {  	_ =	task [dreg:s8], $0x5FFFF  }
0xad: {  	[dreg:$0x1] =	wrdreg $0xFFFFFFFF  }
0xae: {  	[dreg:$0x0] =	wrdreg $0x60  }
0xaf: {  	[dreg:$0x2] =	wrdreg s2  }
0xb0: {  	[dreg:$0x3] =	wrdreg s24  }
0xb1: {  	[dreg:$0x4] =	wrdreg s18  }
0xb2: {  	[dreg:$0x5] =	wrdreg $0x9  }
0xb3: {  	_ =	task.clear_ibuf [dreg:s8], $0x6FFFF;
	_ =	strace $0x90000046  }
0xb4: {  	s29 =	simm.s32 $0x9;
	_ =	strace $0x80000048  }
0xb5: {  	_ =	swait.ge [sflag:s29], $0x1  }
0xb6: {  	[sflag:s29] =	ssyncadd.s32 $0xFFFFFFFF  }
0xb7: {  	_ =	strace $0x90000048  }
0xb8: {  	_ =	sfence  }
0xb9: {  	s30 =	sld [smem:$0x0];
	_ =	sdelay $0x2  }
0xba: {  	s31 =	sshll.u32 s1, $0xD;
	s1 =	sshrl.u32 s1, $0x2  }
0xbb: {  	s3 =	sand.u32 $0x4000, s31;
	s1 =	sadd.s32 s1, s30  }
0xbc: {  	s0 =	sor.u32 s3, s0;
	s1 =	sshll.u32 s1, $0x11  }
0xbd: {  	s0 =	sor.u32 s1, s0  }
0xbe: {  	s0 =	sadd.s32 $0x8F2B, s0  }
0xbf: {  	[sflag:s0] =	ssyncadd.remote.s32 $0x1  }
0xc0: {  	_ =	sfence.sel $0xFFFF  }
0xc1: {  	[dreg:$0x0] =	wrdreg $0xFFFFFFFF;
	(pc) =	sbr.abs _section_cstart, $3  }
0xc2: {  	[dreg:$0x1] =	wrdreg $0xFFFFFFFF  }
0xc3: {  	_ =	task.clear_ibuf [dreg:s8], $0x2FFFF;
	_ =	strace $0x9FFFFFFF  }
0xc4: {  	(tm) =	ssettm $0x7FFFFFFF  }
0xc5: {  	_ =	shalt  }
tec
execute0_lowered:
.L_overlay_start_1:
0x0: {  	(tag) =	ssettag $0x1  }
0x1: {  	s0 =	rddreg [dreg:$0x0]  }
0x2: {  	s1 =	rddreg [dreg:$0x1]  }
0x3: {  	s3 =	rddreg [dreg:$0x2];
	s2 =	srdreg.scid  }
0x4: {  	s26 =	rddreg [dreg:$0x3];
	s5 =	stileid.u32  }
0x5: {  	s23 =	simm.s32 $0x280;
	s24 =	simm.s32 $0x880;
	s25 =	simm.s32 $0x480  }
0x6: {  	s7 =	simm.s32 $0x300;
	s9 =	simm.s32 $0x900;
	s10 =	simm.s32 $0x500  }
0x7: {  	s14 =	simm.s32 $0x400;
	s12 =	simm.s32 $0xB00;
	s29 =	simm.s32 $0x580  }
0x8: {  	s30 =	simm.s32 $0xB80;
	s4 =	sand.u32 $0x1, s2;
	s2 =	simm.s32 $0x0  }
0x9: {  	s31 =	simm.s32 $0x780;
	s28 =	simm.s32 $0xD80;
	[smem:$0x7FF] =	sst s2  }
0xa: {  	p0 =	por $0x0, $0x0;
	_ =	strace $0x80000047;
	[dreg:$0xa] =	wrdreg s23  }
0xb: {  	s5 =	sshll.u32 s5, $0x7;
	s11 =	sadd.s32 $0xA00, s1;
	[dreg:$0xb] =	wrdreg s24  }
0xc: {  	s13 =	sadd.s32 $0x9E00, s1;
	s15 =	sadd.s32 $0x3AD4, s1;
	[dreg:$0xc] =	wrdreg s25  }
0xd: {  	s16 =	sadd.s32 $0xCED4, s1;
	s6 =	sshll.u32 s4, $0x6;
	[dreg:$0x10] =	wrdreg s7  }
0xe: {  	s19 =	ssub.s32 $0x2, s4;
	s5 =	sor.u32 s6, s5;
	[dreg:$0x11] =	wrdreg s9  }
0xf: {  	s4 =	sshrl.u32 s19, $0x1;
	s6 =	simm.s32 $0xC80;
	[dreg:$0x12] =	wrdreg s10  }
0x10: {  	s7 =	simm.s32 $0x800;
	[dreg:$0x13] =	wrdreg s12;
	s10 =	simm.s32 $0x600  }
0x11: {  	s23 =	simm.s32 $0x380;
	s25 =	simm.s32 $0x100;
	s24 =	simm.s32 $0x180  }
0x12: {  	s12 =	simm.s32 $0x4;
	s9 =	simm.s32 $0x5;
	[dreg:$0xf] =	wrdreg s6  }
0x13: {  	s0 =	sadd.s32 s0, s5;
	s8 =	sadd.s32 s3, s5;
	[dreg:$0x16] =	wrdreg s23  }
0x14: {  	s3 =	ssub.s32 s19, s4;
	s4 =	simm.s32 $0xA80;
	[dreg:$0x4] =	wrdreg s0  }
0x15: {  	s5 =	simm.s32 $0x680;
	s19 =	simm.s32 $0x200;
	[dreg:$0xd] =	wrdreg s4  }
0x16: {  	s23 =	simm.s32 $0x1;
	s18 =	sadd.s32 $0x1000, s8;
	[dreg:$0xe] =	wrdreg s5  }
0x17: {  	s6 =	simm.s32 $0x6;
	s20 =	sadd.s32 $0x1800, s8;
	[dreg:$0x6] =	wrdreg s18  }
0x18: {  	s17 =	sadd.s32 $0x800, s8;
	s21 =	sadd.s32 $0x2000, s8;
	[dreg:$0x7] =	wrdreg s20  }
0x19: {  	s18 =	sadd.s32 $0x6BA8, s1;
	s20 =	sadd.s32 $0xFFA8, s1;
	s1 =	smax.u32 s3, $0x1  }
0x1a: {  	s22 =	sadd.s32 $0x2800, s8;
	[dreg:$0x5] =	wrdreg s17;
	p1 =	sne.s32 s1, $0x1  }
.Ltmp0:
0x1b: {  	s5 =	simm.s32 $0xA00;
	[dreg:$0x8] =	wrdreg s21;
	(pc) =	sbr.rel @!p1 .LBB2_1-.Ltmp0, $4  }
0x1c: {  	s4 =	simm.s32 $0xC00;
	[dreg:$0x9] =	wrdreg s22;
	s17 =	simm.s32 $0x700  }
0x1d: {  	s3 =	simm.s32 $0x7;
	s22 =	simm.s32 $0xD00;
	[dreg:$0x14] =	wrdreg s17  }
0x1e: {  	s21 =	simm.s32 $0x80;
	[dreg:$0x15] =	wrdreg s22;
	s0 =	sadd.s32 $0xFFFFFFFF, s1  }
0x1f: {  	s22 =	simm.s32 $0x2;
	s17 =	simm.s32 $0x3;
	s1 =	rddreg [dreg:$0x4]  }
0x20: {  	[tilespmem:s2], [sflag:$0x7] =	stream.linear.gather [hbm4b:s1+s2], $0x200, $0x38;
	[tilespmem:$0xE00] =	vst v63  }
0x21: {  	_ =	swait.ge [sflag:s3], $0x200  }
0x22: {  	[sflag:s3] =	ssyncset.done $0x0  }
0x23: {  	[sflag:s3] =	ssyncadd.s32 $0xFFFFFE00  }
0x24: {  	[tilespmem:s19], [sflag:$0x1] =	stream.indirect.gather [hbm4b:s11+s21], $0x1, s2, s21, $0xb8;
	[tilespmem:$0xE00] =	vst v63  }
0x25: {  	_ = 	snop  }
0x26: {  	[tilespmem:s7], [sflag:$0x4] =	stream.indirect.gather [hbm4b:s13+s21], $0x1, s2, s21, $0xb8;
	[tilespmem:$0xE00] =	vst v63  }
0x27: {  	_ = 	snop  }
0x28: {  	[tilespmem:s14], [sflag:$0x2] =	stream.indirect.gather [hbm4b:s15+s21], $0x1, s2, s21, $0xb8;
	[tilespmem:$0xE00] =	vst v63  }
0x29: {  	_ = 	snop  }
0x2a: {  	[tilespmem:s5], [sflag:$0x5] =	stream.indirect.gather [hbm4b:s16+s21], $0x1, s2, s21, $0xb8;
	[tilespmem:$0xE00] =	vst v63  }
0x2b: {  	_ = 	snop  }
0x2c: {  	[tilespmem:s10], [sflag:$0x3] =	stream.indirect.gather [hbm4b:s18+s21], $0x1, s2, s21, $0xb8;
	[tilespmem:$0xE00] =	vst v63  }
0x2d: {  	_ = 	snop  }
0x2e: {  	[tilespmem:s4], [sflag:$0x6] =	stream.indirect.gather [hbm4b:s20+s21], $0x1, s2, s21, $0xb8;
	[tilespmem:$0xE00] =	vst v63  }
0x2f: {  	s1 =	rddreg [dreg:$0xa]  }
0x30: {  	[tilespmem:s1], [sflag:$0x1] =	stream.indirect.gather [hbm4b:s11+s21], $0x1, s21, s21, $0xb8;
	[tilespmem:$0xE00] =	vst v63  }
0x31: {  	s26 =	smov.u32 s0;
	s0 =	rddreg [dreg:$0xb]  }
0x32: {  	[tilespmem:s0], [sflag:$0x4] =	stream.indirect.gather [hbm4b:s13+s21], $0x1, s21, s21, $0xb8;
	[tilespmem:$0xE00] =	vst v63  }
0x33: {  	s1 =	rddreg [dreg:$0xc]  }
0x34: {  	[tilespmem:s1], [sflag:$0x2] =	stream.indirect.gather [hbm4b:s15+s21], $0x1, s21, s21, $0xb8;
	[tilespmem:$0xE00] =	vst v63  }
0x35: {  	s0 =	rddreg [dreg:$0xd]  }
0x36: {  	[tilespmem:s0], [sflag:$0x5] =	stream.indirect.gather [hbm4b:s16+s21], $0x1, s21, s21, $0xb8;
	[tilespmem:$0xE00] =	vst v63  }
0x37: {  	s1 =	rddreg [dreg:$0xe]  }
0x38: {  	[tilespmem:s1], [sflag:$0x3] =	stream.indirect.gather [hbm4b:s18+s21], $0x1, s21, s21, $0xb8;
	[tilespmem:$0xE00] =	vst v63  }
0x39: {  	s0 =	rddreg [dreg:$0xf]  }
0x3a: {  	[tilespmem:s0], [sflag:$0x6] =	stream.indirect.gather [hbm4b:s20+s21], $0x1, s21, s21, $0xb8;
	[tilespmem:$0xE00] =	vst v63  }
0x3b: {  	s1 =	rddreg [dreg:$0x10]  }
0x3c: {  	[tilespmem:s1], [sflag:$0x1] =	stream.indirect.gather [hbm4b:s11+s21], $0x1, s25, s21, $0xb8;
	[tilespmem:$0xE00] =	vst v63  }
0x3d: {  	s0 =	rddreg [dreg:$0x11]  }
0x3e: {  	[tilespmem:s0], [sflag:$0x4] =	stream.indirect.gather [hbm4b:s13+s21], $0x1, s25, s21, $0xb8;
	[tilespmem:$0xE00] =	vst v63  }
0x3f: {  	s1 =	rddreg [dreg:$0x12]  }
0x40: {  	[tilespmem:s1], [sflag:$0x2] =	stream.indirect.gather [hbm4b:s15+s21], $0x1, s25, s21, $0xb8;
	[tilespmem:$0xE00] =	vst v63  }
0x41: {  	s0 =	rddreg [dreg:$0x13]  }
0x42: {  	[tilespmem:s0], [sflag:$0x5] =	stream.indirect.gather [hbm4b:s16+s21], $0x1, s25, s21, $0xb8;
	[tilespmem:$0xE00] =	vst v63  }
0x43: {  	s1 =	rddreg [dreg:$0x14]  }
0x44: {  	[tilespmem:s1], [sflag:$0x3] =	stream.indirect.gather [hbm4b:s18+s21], $0x1, s25, s21, $0xb8;
	[tilespmem:$0xE00] =	vst v63  }
0x45: {  	s0 =	rddreg [dreg:$0x15]  }
0x46: {  	[tilespmem:s0], [sflag:$0x6] =	stream.indirect.gather [hbm4b:s20+s21], $0x1, s25, s21, $0xb8;
	[tilespmem:$0xE00] =	vst v63  }
0x47: {  	s1 =	rddreg [dreg:$0x16]  }
0x48: {  	[tilespmem:s1], [sflag:$0x1] =	stream.indirect.gather [hbm4b:s11+s21], $0x1, s24, s21, $0xb8;
	[tilespmem:$0xE00] =	vst v63  }
0x49: {  	s1 =	simm.s32 $0x980  }
0x4a: {  	[tilespmem:s1], [sflag:$0x4] =	stream.indirect.gather [hbm4b:s13+s21], $0x1, s24, s21, $0xb8;
	[tilespmem:$0xE00] =	vst v63  }
0x4b: {  	_ = 	snop  }
0x4c: {  	[tilespmem:s29], [sflag:$0x2] =	stream.indirect.gather [hbm4b:s15+s21], $0x1, s24, s21, $0xb8;
	[tilespmem:$0xE00] =	vst v63  }
0x4d: {  	_ = 	snop  }
0x4e: {  	[tilespmem:s30], [sflag:$0x5] =	stream.indirect.gather [hbm4b:s16+s21], $0x1, s24, s21, $0xb8;
	[tilespmem:$0xE00] =	vst v63  }
0x4f: {  	_ = 	snop  }
0x50: {  	[tilespmem:s31], [sflag:$0x3] =	stream.indirect.gather [hbm4b:s18+s21], $0x1, s24, s21, $0xb8;
	[tilespmem:$0xE00] =	vst v63  }
0x51: {  	_ = 	snop  }
0x52: {  	[tilespmem:s28], [sflag:$0x6] =	stream.indirect.gather [hbm4b:s20+s21], $0x1, s24, s21, $0xb8;
	[tilespmem:$0xE00] =	vst v63  }
0x53: {  	_ =	swait.ge [sflag:s23], $0x80  }
0x54: {  	[sflag:s23] =	ssyncset.done $0x0  }
0x55: {  	[sflag:s23] =	ssyncadd.s32 $0xFFFFFF80  }
0x56: {  	_ =	swait.ge [sflag:s23], $0x80  }
0x57: {  	[sflag:s23] =	ssyncset.done $0x0  }
0x58: {  	[sflag:s23] =	ssyncadd.s32 $0xFFFFFF80  }
0x59: {  	_ =	swait.ge [sflag:s23], $0x80  }
0x5a: {  	[sflag:s23] =	ssyncset.done $0x0  }
0x5b: {  	[sflag:s23] =	ssyncadd.s32 $0xFFFFFF80  }
0x5c: {  	_ =	swait.ge [sflag:s23], $0x80  }
0x5d: {  	[sflag:s23] =	ssyncset.done $0x0  }
0x5e: {  	[sflag:s23] =	ssyncadd.s32 $0xFFFFFF80  }
0x5f: {  	[hbm4b:s8+s2] =	stream.linear.scatter [tilespmem:s19], [sflag:$0x7], $0x200, $0x38;
	[tilespmem:$0xE00] =	vst v63  }
0x60: {  	_ =	swait.ge [sflag:s3], $0x200  }
0x61: {  	[sflag:s3] =	ssyncset.done $0x0  }
0x62: {  	[sflag:s3] =	ssyncadd.s32 $0xFFFFFE00  }
0x63: {  	_ =	swait.ge [sflag:s22], $0x80  }
0x64: {  	[sflag:s22] =	ssyncset.done $0x0  }
0x65: {  	[sflag:s22] =	ssyncadd.s32 $0xFFFFFF80  }
0x66: {  	_ =	swait.ge [sflag:s22], $0x80  }
0x67: {  	[sflag:s22] =	ssyncset.done $0x0  }
0x68: {  	[sflag:s22] =	ssyncadd.s32 $0xFFFFFF80  }
0x69: {  	_ =	swait.ge [sflag:s22], $0x80  }
0x6a: {  	[sflag:s22] =	ssyncset.done $0x0  }
0x6b: {  	[sflag:s22] =	ssyncadd.s32 $0xFFFFFF80  }
0x6c: {  	_ =	swait.ge [sflag:s22], $0x80  }
0x6d: {  	[sflag:s22] =	ssyncset.done $0x0  }
0x6e: {  	s1 =	rddreg [dreg:$0x5];
	[sflag:s22] =	ssyncadd.s32 $0xFFFFFF80  }
0x6f: {  	[hbm4b:s1+s2] =	stream.linear.scatter [tilespmem:s14], [sflag:$0x7], $0x200, $0x38;
	[tilespmem:$0xE00] =	vst v63  }
0x70: {  	_ =	swait.ge [sflag:s3], $0x200  }
0x71: {  	[sflag:s3] =	ssyncset.done $0x0  }
0x72: {  	[sflag:s3] =	ssyncadd.s32 $0xFFFFFE00  }
0x73: {  	_ =	swait.ge [sflag:s17], $0x80  }
0x74: {  	[sflag:s17] =	ssyncset.done $0x0  }
0x75: {  	[sflag:s17] =	ssyncadd.s32 $0xFFFFFF80  }
0x76: {  	_ =	swait.ge [sflag:s17], $0x80  }
0x77: {  	[sflag:s17] =	ssyncset.done $0x0  }
0x78: {  	[sflag:s17] =	ssyncadd.s32 $0xFFFFFF80  }
0x79: {  	_ =	swait.ge [sflag:s17], $0x80  }
0x7a: {  	[sflag:s17] =	ssyncset.done $0x0  }
0x7b: {  	[sflag:s17] =	ssyncadd.s32 $0xFFFFFF80  }
0x7c: {  	_ =	swait.ge [sflag:s17], $0x80  }
0x7d: {  	[sflag:s17] =	ssyncset.done $0x0  }
0x7e: {  	s1 =	rddreg [dreg:$0x6];
	[sflag:s17] =	ssyncadd.s32 $0xFFFFFF80  }
0x7f: {  	[hbm4b:s1+s2] =	stream.linear.scatter [tilespmem:s10], [sflag:$0x7], $0x200, $0x38;
	[tilespmem:$0xE00] =	vst v63  }
0x80: {  	_ =	swait.ge [sflag:s3], $0x200  }
0x81: {  	[sflag:s3] =	ssyncset.done $0x0  }
0x82: {  	[sflag:s3] =	ssyncadd.s32 $0xFFFFFE00  }
0x83: {  	_ =	swait.ge [sflag:s12], $0x80  }
0x84: {  	[sflag:s12] =	ssyncset.done $0x0  }
0x85: {  	[sflag:s12] =	ssyncadd.s32 $0xFFFFFF80  }
0x86: {  	_ =	swait.ge [sflag:s12], $0x80  }
0x87: {  	[sflag:s12] =	ssyncset.done $0x0  }
0x88: {  	[sflag:s12] =	ssyncadd.s32 $0xFFFFFF80  }
0x89: {  	_ =	swait.ge [sflag:s12], $0x80  }
0x8a: {  	[sflag:s12] =	ssyncset.done $0x0  }
0x8b: {  	[sflag:s12] =	ssyncadd.s32 $0xFFFFFF80  }
0x8c: {  	_ =	swait.ge [sflag:s12], $0x80  }
0x8d: {  	[sflag:s12] =	ssyncset.done $0x0  }
0x8e: {  	s1 =	rddreg [dreg:$0x7];
	[sflag:s12] =	ssyncadd.s32 $0xFFFFFF80  }
0x8f: {  	[hbm4b:s1+s2] =	stream.linear.scatter [tilespmem:s7], [sflag:$0x7], $0x200, $0x38;
	[tilespmem:$0xE00] =	vst v63  }
0x90: {  	_ =	swait.ge [sflag:s3], $0x200  }
0x91: {  	[sflag:s3] =	ssyncset.done $0x0  }
0x92: {  	[sflag:s3] =	ssyncadd.s32 $0xFFFFFE00  }
0x93: {  	_ =	swait.ge [sflag:s9], $0x80  }
0x94: {  	[sflag:s9] =	ssyncset.done $0x0  }
0x95: {  	[sflag:s9] =	ssyncadd.s32 $0xFFFFFF80  }
0x96: {  	_ =	swait.ge [sflag:s9], $0x80  }
0x97: {  	[sflag:s9] =	ssyncset.done $0x0  }
0x98: {  	[sflag:s9] =	ssyncadd.s32 $0xFFFFFF80  }
0x99: {  	_ =	swait.ge [sflag:s9], $0x80  }
0x9a: {  	[sflag:s9] =	ssyncset.done $0x0  }
0x9b: {  	[sflag:s9] =	ssyncadd.s32 $0xFFFFFF80  }
0x9c: {  	_ =	swait.ge [sflag:s9], $0x80  }
0x9d: {  	[sflag:s9] =	ssyncset.done $0x0  }
0x9e: {  	s1 =	rddreg [dreg:$0x8];
	[sflag:s9] =	ssyncadd.s32 $0xFFFFFF80  }
0x9f: {  	[hbm4b:s1+s2] =	stream.linear.scatter [tilespmem:s5], [sflag:$0x7], $0x200, $0x38;
	[tilespmem:$0xE00] =	vst v63  }
0xa0: {  	_ =	swait.ge [sflag:s3], $0x200  }
0xa1: {  	[sflag:s3] =	ssyncset.done $0x0  }
0xa2: {  	[sflag:s3] =	ssyncadd.s32 $0xFFFFFE00  }
0xa3: {  	_ =	swait.ge [sflag:s6], $0x80  }
0xa4: {  	[sflag:s6] =	ssyncset.done $0x0  }
0xa5: {  	[sflag:s6] =	ssyncadd.s32 $0xFFFFFF80  }
0xa6: {  	_ =	swait.ge [sflag:s6], $0x80  }
0xa7: {  	[sflag:s6] =	ssyncset.done $0x0  }
0xa8: {  	[sflag:s6] =	ssyncadd.s32 $0xFFFFFF80  }
0xa9: {  	_ =	swait.ge [sflag:s6], $0x80  }
0xaa: {  	[sflag:s6] =	ssyncset.done $0x0  }
0xab: {  	[sflag:s6] =	ssyncadd.s32 $0xFFFFFF80  }
0xac: {  	p1 =	sne.s32 s26, $0x1;
	_ =	swait.ge [sflag:s6], $0x80  }
.Ltmp1:
0xad: {  	[sflag:s6] =	ssyncset.done $0x0;
	(pc) =	sbr.rel @!p1 .LBB2_3-.Ltmp1, $4  }
0xae: {  	s1 =	rddreg [dreg:$0x9];
	[sflag:s6] =	ssyncadd.s32 $0xFFFFFF80  }
0xaf: {  	[hbm4b:s1+s2] =	stream.linear.scatter [tilespmem:s4], [sflag:$0x7], $0x200, $0x38;
	[tilespmem:$0xE00] =	vst v63  }
0xb0: {  	p0 =	por $0x1, $0x1;
	_ =	swait.ge [sflag:s3], $0x200  }
0xb1: {  	s0 =	sadd.s32 $0xFFFFFFFF, s26;
	s1 =	rddreg [dreg:$0x4];
	[sflag:s3] =	ssyncset.done $0x0  }
.LBB2_4:
0xb2: {  	[sflag:s3] =	ssyncadd.s32 $0xFFFFFE00  }
0xb3: {  	[tilespmem:s2], [sflag:$0x7] =	stream.linear.gather [hbm4b:s1+s2], $0x200, $0x38;
	[tilespmem:$0xE00] =	vst v63  }
0xb4: {  	_ =	swait.ge [sflag:s3], $0x200  }
0xb5: {  	[sflag:s3] =	ssyncset.done $0x0  }
0xb6: {  	[sflag:s3] =	ssyncadd.s32 $0xFFFFFE00  }
0xb7: {  	[tilespmem:s19], [sflag:$0x1] =	stream.indirect.gather [hbm4b:s11+s21], $0x1, s2, s21, $0xb8;
	[tilespmem:$0xE00] =	vst v63  }
0xb8: {  	_ = 	snop  }
0xb9: {  	[tilespmem:s7], [sflag:$0x4] =	stream.indirect.gather [hbm4b:s13+s21], $0x1, s2, s21, $0xb8;
	[tilespmem:$0xE00] =	vst v63  }
0xba: {  	_ = 	snop  }
0xbb: {  	[tilespmem:s14], [sflag:$0x2] =	stream.indirect.gather [hbm4b:s15+s21], $0x1, s2, s21, $0xb8;
	[tilespmem:$0xE00] =	vst v63  }
0xbc: {  	_ = 	snop  }
0xbd: {  	[tilespmem:s5], [sflag:$0x5] =	stream.indirect.gather [hbm4b:s16+s21], $0x1, s2, s21, $0xb8;
	[tilespmem:$0xE00] =	vst v63  }
0xbe: {  	_ = 	snop  }
0xbf: {  	[tilespmem:s10], [sflag:$0x3] =	stream.indirect.gather [hbm4b:s18+s21], $0x1, s2, s21, $0xb8;
	[tilespmem:$0xE00] =	vst v63  }
0xc0: {  	_ = 	snop  }
0xc1: {  	[tilespmem:s4], [sflag:$0x6] =	stream.indirect.gather [hbm4b:s20+s21], $0x1, s2, s21, $0xb8;
	[tilespmem:$0xE00] =	vst v63  }
0xc2: {  	s1 =	rddreg [dreg:$0xa]  }
0xc3: {  	[tilespmem:s1], [sflag:$0x1] =	stream.indirect.gather [hbm4b:s11+s21], $0x1, s21, s21, $0xb8;
	[tilespmem:$0xE00] =	vst v63  }
0xc4: {  	s26 =	rddreg [dreg:$0xb]  }
0xc5: {  	[tilespmem:s26], [sflag:$0x4] =	stream.indirect.gather [hbm4b:s13+s21], $0x1, s21, s21, $0xb8;
	[tilespmem:$0xE00] =	vst v63  }
0xc6: {  	s1 =	rddreg [dreg:$0xc]  }
0xc7: {  	[tilespmem:s1], [sflag:$0x2] =	stream.indirect.gather [hbm4b:s15+s21], $0x1, s21, s21, $0xb8;
	[tilespmem:$0xE00] =	vst v63  }
0xc8: {  	s26 =	rddreg [dreg:$0xd]  }
0xc9: {  	[tilespmem:s26], [sflag:$0x5] =	stream.indirect.gather [hbm4b:s16+s21], $0x1, s21, s21, $0xb8;
	[tilespmem:$0xE00] =	vst v63  }
0xca: {  	s1 =	rddreg [dreg:$0xe]  }
0xcb: {  	[tilespmem:s1], [sflag:$0x3] =	stream.indirect.gather [hbm4b:s18+s21], $0x1, s21, s21, $0xb8;
	[tilespmem:$0xE00] =	vst v63  }
0xcc: {  	s26 =	rddreg [dreg:$0xf]  }
0xcd: {  	[tilespmem:s26], [sflag:$0x6] =	stream.indirect.gather [hbm4b:s20+s21], $0x1, s21, s21, $0xb8;
	[tilespmem:$0xE00] =	vst v63  }
0xce: {  	s1 =	rddreg [dreg:$0x10]  }
0xcf: {  	[tilespmem:s1], [sflag:$0x1] =	stream.indirect.gather [hbm4b:s11+s21], $0x1, s25, s21, $0xb8;
	[tilespmem:$0xE00] =	vst v63  }
0xd0: {  	s26 =	rddreg [dreg:$0x11]  }
0xd1: {  	[tilespmem:s26], [sflag:$0x4] =	stream.indirect.gather [hbm4b:s13+s21], $0x1, s25, s21, $0xb8;
	[tilespmem:$0xE00] =	vst v63  }
0xd2: {  	s1 =	rddreg [dreg:$0x12]  }
0xd3: {  	[tilespmem:s1], [sflag:$0x2] =	stream.indirect.gather [hbm4b:s15+s21], $0x1, s25, s21, $0xb8;
	[tilespmem:$0xE00] =	vst v63  }
0xd4: {  	s26 =	rddreg [dreg:$0x13]  }
0xd5: {  	[tilespmem:s26], [sflag:$0x5] =	stream.indirect.gather [hbm4b:s16+s21], $0x1, s25, s21, $0xb8;
	[tilespmem:$0xE00] =	vst v63  }
0xd6: {  	s1 =	rddreg [dreg:$0x14]  }
0xd7: {  	[tilespmem:s1], [sflag:$0x3] =	stream.indirect.gather [hbm4b:s18+s21], $0x1, s25, s21, $0xb8;
	[tilespmem:$0xE00] =	vst v63  }
0xd8: {  	s26 =	rddreg [dreg:$0x15]  }
0xd9: {  	[tilespmem:s26], [sflag:$0x6] =	stream.indirect.gather [hbm4b:s20+s21], $0x1, s25, s21, $0xb8;
	[tilespmem:$0xE00] =	vst v63  }
0xda: {  	s1 =	rddreg [dreg:$0x16]  }
0xdb: {  	[tilespmem:s1], [sflag:$0x1] =	stream.indirect.gather [hbm4b:s11+s21], $0x1, s24, s21, $0xb8;
	[tilespmem:$0xE00] =	vst v63  }
0xdc: {  	s26 =	simm.s32 $0x980  }
0xdd: {  	[tilespmem:s26], [sflag:$0x4] =	stream.indirect.gather [hbm4b:s13+s21], $0x1, s24, s21, $0xb8;
	[tilespmem:$0xE00] =	vst v63  }
0xde: {  	_ = 	snop  }
0xdf: {  	[tilespmem:s29], [sflag:$0x2] =	stream.indirect.gather [hbm4b:s15+s21], $0x1, s24, s21, $0xb8;
	[tilespmem:$0xE00] =	vst v63  }
0xe0: {  	_ = 	snop  }
0xe1: {  	[tilespmem:s30], [sflag:$0x5] =	stream.indirect.gather [hbm4b:s16+s21], $0x1, s24, s21, $0xb8;
	[tilespmem:$0xE00] =	vst v63  }
0xe2: {  	_ = 	snop  }
0xe3: {  	[tilespmem:s31], [sflag:$0x3] =	stream.indirect.gather [hbm4b:s18+s21], $0x1, s24, s21, $0xb8;
	[tilespmem:$0xE00] =	vst v63  }
0xe4: {  	_ = 	snop  }
0xe5: {  	[tilespmem:s28], [sflag:$0x6] =	stream.indirect.gather [hbm4b:s20+s21], $0x1, s24, s21, $0xb8;
	[tilespmem:$0xE00] =	vst v63  }
0xe6: {  	_ =	swait.ge [sflag:s23], $0x80  }
0xe7: {  	[sflag:s23] =	ssyncset.done $0x0  }
0xe8: {  	[sflag:s23] =	ssyncadd.s32 $0xFFFFFF80  }
0xe9: {  	_ =	swait.ge [sflag:s23], $0x80  }
0xea: {  	[sflag:s23] =	ssyncset.done $0x0  }
0xeb: {  	[sflag:s23] =	ssyncadd.s32 $0xFFFFFF80  }
0xec: {  	_ =	swait.ge [sflag:s23], $0x80  }
0xed: {  	[sflag:s23] =	ssyncset.done $0x0  }
0xee: {  	[sflag:s23] =	ssyncadd.s32 $0xFFFFFF80  }
0xef: {  	_ =	swait.ge [sflag:s23], $0x80  }
0xf0: {  	[sflag:s23] =	ssyncset.done $0x0  }
0xf1: {  	[sflag:s23] =	ssyncadd.s32 $0xFFFFFF80  }
0xf2: {  	[hbm4b:s8+s2] =	stream.linear.scatter [tilespmem:s19], [sflag:$0x7], $0x200, $0x38;
	[tilespmem:$0xE00] =	vst v63  }
0xf3: {  	_ =	swait.ge [sflag:s3], $0x200  }
0xf4: {  	[sflag:s3] =	ssyncset.done $0x0  }
0xf5: {  	[sflag:s3] =	ssyncadd.s32 $0xFFFFFE00  }
0xf6: {  	_ =	swait.ge [sflag:s22], $0x80  }
0xf7: {  	[sflag:s22] =	ssyncset.done $0x0  }
0xf8: {  	[sflag:s22] =	ssyncadd.s32 $0xFFFFFF80  }
0xf9: {  	_ =	swait.ge [sflag:s22], $0x80  }
0xfa: {  	[sflag:s22] =	ssyncset.done $0x0  }
0xfb: {  	[sflag:s22] =	ssyncadd.s32 $0xFFFFFF80  }
0xfc: {  	_ =	swait.ge [sflag:s22], $0x80  }
0xfd: {  	[sflag:s22] =	ssyncset.done $0x0  }
0xfe: {  	[sflag:s22] =	ssyncadd.s32 $0xFFFFFF80  }
0xff: {  	_ =	swait.ge [sflag:s22], $0x80  }
0x100: {  	[sflag:s22] =	ssyncset.done $0x0  }
0x101: {  	s26 =	rddreg [dreg:$0x5];
	[sflag:s22] =	ssyncadd.s32 $0xFFFFFF80  }
0x102: {  	[hbm4b:s26+s2] =	stream.linear.scatter [tilespmem:s14], [sflag:$0x7], $0x200, $0x38;
	[tilespmem:$0xE00] =	vst v63  }
0x103: {  	_ =	swait.ge [sflag:s3], $0x200  }
0x104: {  	[sflag:s3] =	ssyncset.done $0x0  }
0x105: {  	[sflag:s3] =	ssyncadd.s32 $0xFFFFFE00  }
0x106: {  	_ =	swait.ge [sflag:s17], $0x80  }
0x107: {  	[sflag:s17] =	ssyncset.done $0x0  }
0x108: {  	[sflag:s17] =	ssyncadd.s32 $0xFFFFFF80  }
0x109: {  	_ =	swait.ge [sflag:s17], $0x80  }
0x10a: {  	[sflag:s17] =	ssyncset.done $0x0  }
0x10b: {  	[sflag:s17] =	ssyncadd.s32 $0xFFFFFF80  }
0x10c: {  	_ =	swait.ge [sflag:s17], $0x80  }
0x10d: {  	[sflag:s17] =	ssyncset.done $0x0  }
0x10e: {  	[sflag:s17] =	ssyncadd.s32 $0xFFFFFF80  }
0x10f: {  	_ =	swait.ge [sflag:s17], $0x80  }
0x110: {  	[sflag:s17] =	ssyncset.done $0x0  }
0x111: {  	s26 =	rddreg [dreg:$0x6];
	[sflag:s17] =	ssyncadd.s32 $0xFFFFFF80  }
0x112: {  	[hbm4b:s26+s2] =	stream.linear.scatter [tilespmem:s10], [sflag:$0x7], $0x200, $0x38;
	[tilespmem:$0xE00] =	vst v63  }
0x113: {  	_ =	swait.ge [sflag:s3], $0x200  }
0x114: {  	[sflag:s3] =	ssyncset.done $0x0  }
0x115: {  	[sflag:s3] =	ssyncadd.s32 $0xFFFFFE00  }
0x116: {  	_ =	swait.ge [sflag:s12], $0x80  }
0x117: {  	[sflag:s12] =	ssyncset.done $0x0  }
0x118: {  	[sflag:s12] =	ssyncadd.s32 $0xFFFFFF80  }
0x119: {  	_ =	swait.ge [sflag:s12], $0x80  }
0x11a: {  	[sflag:s12] =	ssyncset.done $0x0  }
0x11b: {  	[sflag:s12] =	ssyncadd.s32 $0xFFFFFF80  }
0x11c: {  	_ =	swait.ge [sflag:s12], $0x80  }
0x11d: {  	[sflag:s12] =	ssyncset.done $0x0  }
0x11e: {  	[sflag:s12] =	ssyncadd.s32 $0xFFFFFF80  }
0x11f: {  	_ =	swait.ge [sflag:s12], $0x80  }
0x120: {  	[sflag:s12] =	ssyncset.done $0x0  }
0x121: {  	s26 =	rddreg [dreg:$0x7];
	[sflag:s12] =	ssyncadd.s32 $0xFFFFFF80  }
0x122: {  	[hbm4b:s26+s2] =	stream.linear.scatter [tilespmem:s7], [sflag:$0x7], $0x200, $0x38;
	[tilespmem:$0xE00] =	vst v63  }
0x123: {  	_ =	swait.ge [sflag:s3], $0x200  }
0x124: {  	[sflag:s3] =	ssyncset.done $0x0  }
0x125: {  	[sflag:s3] =	ssyncadd.s32 $0xFFFFFE00  }
0x126: {  	_ =	swait.ge [sflag:s9], $0x80  }
0x127: {  	[sflag:s9] =	ssyncset.done $0x0  }
0x128: {  	[sflag:s9] =	ssyncadd.s32 $0xFFFFFF80  }
0x129: {  	_ =	swait.ge [sflag:s9], $0x80  }
0x12a: {  	[sflag:s9] =	ssyncset.done $0x0  }
0x12b: {  	[sflag:s9] =	ssyncadd.s32 $0xFFFFFF80  }
0x12c: {  	_ =	swait.ge [sflag:s9], $0x80  }
0x12d: {  	[sflag:s9] =	ssyncset.done $0x0  }
0x12e: {  	[sflag:s9] =	ssyncadd.s32 $0xFFFFFF80  }
0x12f: {  	_ =	swait.ge [sflag:s9], $0x80  }
0x130: {  	[sflag:s9] =	ssyncset.done $0x0  }
0x131: {  	s26 =	rddreg [dreg:$0x8];
	[sflag:s9] =	ssyncadd.s32 $0xFFFFFF80  }
0x132: {  	[hbm4b:s26+s2] =	stream.linear.scatter [tilespmem:s5], [sflag:$0x7], $0x200, $0x38;
	[tilespmem:$0xE00] =	vst v63  }
0x133: {  	_ =	swait.ge [sflag:s3], $0x200  }
0x134: {  	[sflag:s3] =	ssyncset.done $0x0  }
0x135: {  	[sflag:s3] =	ssyncadd.s32 $0xFFFFFE00  }
0x136: {  	_ =	swait.ge [sflag:s6], $0x80  }
0x137: {  	[sflag:s6] =	ssyncset.done $0x0  }
0x138: {  	[sflag:s6] =	ssyncadd.s32 $0xFFFFFF80  }
0x139: {  	_ =	swait.ge [sflag:s6], $0x80  }
0x13a: {  	[sflag:s6] =	ssyncset.done $0x0  }
0x13b: {  	[sflag:s6] =	ssyncadd.s32 $0xFFFFFF80  }
0x13c: {  	_ =	swait.ge [sflag:s6], $0x80  }
0x13d: {  	[sflag:s6] =	ssyncset.done $0x0  }
0x13e: {  	[sflag:s6] =	ssyncadd.s32 $0xFFFFFF80  }
0x13f: {  	p1 =	sne.s32 s0, $0x1;
	_ =	swait.ge [sflag:s6], $0x80  }
.Ltmp2:
0x140: {  	[sflag:s6] =	ssyncset.done $0x0;
	(pc) =	sbr.rel @p1 .LBB2_4-.Ltmp2, $4  }
0x141: {  	s26 =	rddreg [dreg:$0x9];
	[sflag:s6] =	ssyncadd.s32 $0xFFFFFF80  }
0x142: {  	[hbm4b:s26+s2] =	stream.linear.scatter [tilespmem:s4], [sflag:$0x7], $0x200, $0x38;
	[tilespmem:$0xE00] =	vst v63  }
0x143: {  	_ =	swait.ge [sflag:s3], $0x200  }
0x144: {  	s0 =	sadd.s32 $0xFFFFFFFF, s0;
	s1 =	rddreg [dreg:$0x4];
	[sflag:s3] =	ssyncset.done $0x0  }
0x145: {  	s31 =	simm.s32 $0x780;
	s30 =	simm.s32 $0xB80  }
0x146: {  	s29 =	simm.s32 $0x580;
	s28 =	simm.s32 $0x980;
	s26 =	rddreg [dreg:$0x3]  }
.LBB2_6:
0x147: {  	[sflag:s3] =	ssyncadd.s32 @p0 $0xFFFFFE00  }
0x148: {  	[tilespmem:s2], [sflag:$0x7] =	stream.linear.gather [hbm4b:s1+s2], $0x200, $0x38;
	[tilespmem:$0xE00] =	vst v63  }
0x149: {  	_ =	swait.ge [sflag:s3], $0x200  }
0x14a: {  	[sflag:s3] =	ssyncset.done $0x0  }
0x14b: {  	[sflag:s3] =	ssyncadd.s32 $0xFFFFFE00  }
0x14c: {  	[tilespmem:s19], [sflag:$0x1] =	stream.indirect.gather [hbm4b:s11+s21], $0x1, s2, s21, $0xb8;
	[tilespmem:$0xE00] =	vst v63  }
0x14d: {  	_ = 	snop  }
0x14e: {  	[tilespmem:s7], [sflag:$0x4] =	stream.indirect.gather [hbm4b:s13+s21], $0x1, s2, s21, $0xb8;
	[tilespmem:$0xE00] =	vst v63  }
0x14f: {  	_ = 	snop  }
0x150: {  	[tilespmem:s14], [sflag:$0x2] =	stream.indirect.gather [hbm4b:s15+s21], $0x1, s2, s21, $0xb8;
	[tilespmem:$0xE00] =	vst v63  }
0x151: {  	_ = 	snop  }
0x152: {  	[tilespmem:s5], [sflag:$0x5] =	stream.indirect.gather [hbm4b:s16+s21], $0x1, s2, s21, $0xb8;
	[tilespmem:$0xE00] =	vst v63  }
0x153: {  	_ = 	snop  }
0x154: {  	[tilespmem:s10], [sflag:$0x3] =	stream.indirect.gather [hbm4b:s18+s21], $0x1, s2, s21, $0xb8;
	[tilespmem:$0xE00] =	vst v63  }
0x155: {  	_ = 	snop  }
0x156: {  	[tilespmem:s4], [sflag:$0x6] =	stream.indirect.gather [hbm4b:s20+s21], $0x1, s2, s21, $0xb8;
	[tilespmem:$0xE00] =	vst v63  }
0x157: {  	s0 =	rddreg [dreg:$0xa]  }
0x158: {  	[tilespmem:s0], [sflag:$0x1] =	stream.indirect.gather [hbm4b:s11+s21], $0x1, s21, s21, $0xb8;
	[tilespmem:$0xE00] =	vst v63  }
0x159: {  	s1 =	rddreg [dreg:$0xb]  }
0x15a: {  	[tilespmem:s1], [sflag:$0x4] =	stream.indirect.gather [hbm4b:s13+s21], $0x1, s21, s21, $0xb8;
	[tilespmem:$0xE00] =	vst v63  }
0x15b: {  	s0 =	rddreg [dreg:$0xc]  }
0x15c: {  	[tilespmem:s0], [sflag:$0x2] =	stream.indirect.gather [hbm4b:s15+s21], $0x1, s21, s21, $0xb8;
	[tilespmem:$0xE00] =	vst v63  }
0x15d: {  	s1 =	rddreg [dreg:$0xd]  }
0x15e: {  	[tilespmem:s1], [sflag:$0x5] =	stream.indirect.gather [hbm4b:s16+s21], $0x1, s21, s21, $0xb8;
	[tilespmem:$0xE00] =	vst v63  }
0x15f: {  	s0 =	rddreg [dreg:$0xe]  }
0x160: {  	[tilespmem:s0], [sflag:$0x3] =	stream.indirect.gather [hbm4b:s18+s21], $0x1, s21, s21, $0xb8;
	[tilespmem:$0xE00] =	vst v63  }
0x161: {  	s1 =	rddreg [dreg:$0xf]  }
0x162: {  	[tilespmem:s1], [sflag:$0x6] =	stream.indirect.gather [hbm4b:s20+s21], $0x1, s21, s21, $0xb8;
	[tilespmem:$0xE00] =	vst v63  }
0x163: {  	s0 =	rddreg [dreg:$0x10]  }
0x164: {  	[tilespmem:s0], [sflag:$0x1] =	stream.indirect.gather [hbm4b:s11+s21], $0x1, s25, s21, $0xb8;
	[tilespmem:$0xE00] =	vst v63  }
0x165: {  	s1 =	rddreg [dreg:$0x11]  }
0x166: {  	[tilespmem:s1], [sflag:$0x4] =	stream.indirect.gather [hbm4b:s13+s21], $0x1, s25, s21, $0xb8;
	[tilespmem:$0xE00] =	vst v63  }
0x167: {  	s0 =	rddreg [dreg:$0x12]  }
0x168: {  	[tilespmem:s0], [sflag:$0x2] =	stream.indirect.gather [hbm4b:s15+s21], $0x1, s25, s21, $0xb8;
	[tilespmem:$0xE00] =	vst v63  }
0x169: {  	s1 =	rddreg [dreg:$0x13]  }
0x16a: {  	[tilespmem:s1], [sflag:$0x5] =	stream.indirect.gather [hbm4b:s16+s21], $0x1, s25, s21, $0xb8;
	[tilespmem:$0xE00] =	vst v63  }
0x16b: {  	s0 =	rddreg [dreg:$0x14]  }
0x16c: {  	[tilespmem:s0], [sflag:$0x3] =	stream.indirect.gather [hbm4b:s18+s21], $0x1, s25, s21, $0xb8;
	[tilespmem:$0xE00] =	vst v63  }
0x16d: {  	s1 =	rddreg [dreg:$0x15]  }
0x16e: {  	[tilespmem:s1], [sflag:$0x6] =	stream.indirect.gather [hbm4b:s20+s21], $0x1, s25, s21, $0xb8;
	[tilespmem:$0xE00] =	vst v63  }
0x16f: {  	s0 =	rddreg [dreg:$0x16]  }
0x170: {  	[tilespmem:s0], [sflag:$0x1] =	stream.indirect.gather [hbm4b:s11+s21], $0x1, s24, s21, $0xb8;
	[tilespmem:$0xE00] =	vst v63  }
0x171: {  	_ = 	snop  }
0x172: {  	[tilespmem:s28], [sflag:$0x4] =	stream.indirect.gather [hbm4b:s13+s21], $0x1, s24, s21, $0xb8;
	[tilespmem:$0xE00] =	vst v63  }
0x173: {  	_ = 	snop  }
0x174: {  	[tilespmem:s29], [sflag:$0x2] =	stream.indirect.gather [hbm4b:s15+s21], $0x1, s24, s21, $0xb8;
	[tilespmem:$0xE00] =	vst v63  }
0x175: {  	_ = 	snop  }
0x176: {  	[tilespmem:s30], [sflag:$0x5] =	stream.indirect.gather [hbm4b:s16+s21], $0x1, s24, s21, $0xb8;
	[tilespmem:$0xE00] =	vst v63  }
0x177: {  	_ = 	snop  }
0x178: {  	[tilespmem:s31], [sflag:$0x3] =	stream.indirect.gather [hbm4b:s18+s21], $0x1, s24, s21, $0xb8;
	[tilespmem:$0xE00] =	vst v63  }
0x179: {  	s18 =	simm.s32 $0xD80  }
0x17a: {  	[tilespmem:s18], [sflag:$0x6] =	stream.indirect.gather [hbm4b:s20+s21], $0x1, s24, s21, $0xb8;
	[tilespmem:$0xE00] =	vst v63  }
0x17b: {  	_ =	swait.ge [sflag:s23], $0x80  }
0x17c: {  	[sflag:s23] =	ssyncset.done $0x0  }
0x17d: {  	[sflag:s23] =	ssyncadd.s32 $0xFFFFFF80  }
0x17e: {  	_ =	swait.ge [sflag:s23], $0x80  }
0x17f: {  	[sflag:s23] =	ssyncset.done $0x0  }
0x180: {  	[sflag:s23] =	ssyncadd.s32 $0xFFFFFF80  }
0x181: {  	_ =	swait.ge [sflag:s23], $0x80  }
0x182: {  	[sflag:s23] =	ssyncset.done $0x0  }
0x183: {  	[sflag:s23] =	ssyncadd.s32 $0xFFFFFF80  }
0x184: {  	_ =	swait.ge [sflag:s23], $0x80  }
0x185: {  	[sflag:s23] =	ssyncset.done $0x0  }
0x186: {  	[sflag:s23] =	ssyncadd.s32 $0xFFFFFF80  }
0x187: {  	[hbm4b:s8+s2] =	stream.linear.scatter [tilespmem:s19], [sflag:$0x7], $0x200, $0x38;
	[tilespmem:$0xE00] =	vst v63  }
0x188: {  	_ =	swait.ge [sflag:s3], $0x200  }
0x189: {  	[sflag:s3] =	ssyncset.done $0x0  }
0x18a: {  	[sflag:s3] =	ssyncadd.s32 $0xFFFFFE00  }
0x18b: {  	_ =	swait.ge [sflag:s22], $0x80  }
0x18c: {  	[sflag:s22] =	ssyncset.done $0x0  }
0x18d: {  	[sflag:s22] =	ssyncadd.s32 $0xFFFFFF80  }
0x18e: {  	_ =	swait.ge [sflag:s22], $0x80  }
0x18f: {  	[sflag:s22] =	ssyncset.done $0x0  }
0x190: {  	[sflag:s22] =	ssyncadd.s32 $0xFFFFFF80  }
0x191: {  	_ =	swait.ge [sflag:s22], $0x80  }
0x192: {  	[sflag:s22] =	ssyncset.done $0x0  }
0x193: {  	[sflag:s22] =	ssyncadd.s32 $0xFFFFFF80  }
0x194: {  	_ =	swait.ge [sflag:s22], $0x80  }
0x195: {  	[sflag:s22] =	ssyncset.done $0x0  }
0x196: {  	s24 =	rddreg [dreg:$0x5];
	[sflag:s22] =	ssyncadd.s32 $0xFFFFFF80  }
0x197: {  	[hbm4b:s24+s2] =	stream.linear.scatter [tilespmem:s14], [sflag:$0x7], $0x200, $0x38;
	[tilespmem:$0xE00] =	vst v63  }
0x198: {  	_ =	swait.ge [sflag:s3], $0x200  }
0x199: {  	[sflag:s3] =	ssyncset.done $0x0  }
0x19a: {  	[sflag:s3] =	ssyncadd.s32 $0xFFFFFE00  }
0x19b: {  	_ =	swait.ge [sflag:s17], $0x80  }
0x19c: {  	[sflag:s17] =	ssyncset.done $0x0  }
0x19d: {  	[sflag:s17] =	ssyncadd.s32 $0xFFFFFF80  }
0x19e: {  	_ =	swait.ge [sflag:s17], $0x80  }
0x19f: {  	[sflag:s17] =	ssyncset.done $0x0  }
0x1a0: {  	[sflag:s17] =	ssyncadd.s32 $0xFFFFFF80  }
0x1a1: {  	_ =	swait.ge [sflag:s17], $0x80  }
0x1a2: {  	[sflag:s17] =	ssyncset.done $0x0  }
0x1a3: {  	[sflag:s17] =	ssyncadd.s32 $0xFFFFFF80  }
0x1a4: {  	_ =	swait.ge [sflag:s17], $0x80  }
0x1a5: {  	[sflag:s17] =	ssyncset.done $0x0  }
0x1a6: {  	s25 =	rddreg [dreg:$0x6];
	[sflag:s17] =	ssyncadd.s32 $0xFFFFFF80  }
0x1a7: {  	[hbm4b:s25+s2] =	stream.linear.scatter [tilespmem:s10], [sflag:$0x7], $0x200, $0x38;
	[tilespmem:$0xE00] =	vst v63  }
0x1a8: {  	_ =	swait.ge [sflag:s3], $0x200  }
0x1a9: {  	[sflag:s3] =	ssyncset.done $0x0  }
0x1aa: {  	[sflag:s3] =	ssyncadd.s32 $0xFFFFFE00  }
0x1ab: {  	_ =	swait.ge [sflag:s12], $0x80  }
0x1ac: {  	[sflag:s12] =	ssyncset.done $0x0  }
0x1ad: {  	[sflag:s12] =	ssyncadd.s32 $0xFFFFFF80  }
0x1ae: {  	_ =	swait.ge [sflag:s12], $0x80  }
0x1af: {  	[sflag:s12] =	ssyncset.done $0x0  }
0x1b0: {  	[sflag:s12] =	ssyncadd.s32 $0xFFFFFF80  }
0x1b1: {  	_ =	swait.ge [sflag:s12], $0x80  }
0x1b2: {  	[sflag:s12] =	ssyncset.done $0x0  }
0x1b3: {  	[sflag:s12] =	ssyncadd.s32 $0xFFFFFF80  }
0x1b4: {  	_ =	swait.ge [sflag:s12], $0x80  }
0x1b5: {  	[sflag:s12] =	ssyncset.done $0x0  }
0x1b6: {  	s28 =	rddreg [dreg:$0x7];
	[sflag:s12] =	ssyncadd.s32 $0xFFFFFF80  }
0x1b7: {  	[hbm4b:s28+s2] =	stream.linear.scatter [tilespmem:s7], [sflag:$0x7], $0x200, $0x38;
	[tilespmem:$0xE00] =	vst v63  }
0x1b8: {  	_ =	swait.ge [sflag:s3], $0x200  }
0x1b9: {  	[sflag:s3] =	ssyncset.done $0x0  }
0x1ba: {  	[sflag:s3] =	ssyncadd.s32 $0xFFFFFE00  }
0x1bb: {  	_ =	swait.ge [sflag:s9], $0x80  }
0x1bc: {  	[sflag:s9] =	ssyncset.done $0x0  }
0x1bd: {  	[sflag:s9] =	ssyncadd.s32 $0xFFFFFF80  }
0x1be: {  	_ =	swait.ge [sflag:s9], $0x80  }
0x1bf: {  	[sflag:s9] =	ssyncset.done $0x0  }
0x1c0: {  	[sflag:s9] =	ssyncadd.s32 $0xFFFFFF80  }
0x1c1: {  	_ =	swait.ge [sflag:s9], $0x80  }
0x1c2: {  	[sflag:s9] =	ssyncset.done $0x0  }
0x1c3: {  	[sflag:s9] =	ssyncadd.s32 $0xFFFFFF80  }
0x1c4: {  	_ =	swait.ge [sflag:s9], $0x80  }
0x1c5: {  	[sflag:s9] =	ssyncset.done $0x0  }
0x1c6: {  	s29 =	rddreg [dreg:$0x8];
	[sflag:s9] =	ssyncadd.s32 $0xFFFFFF80  }
0x1c7: {  	[hbm4b:s29+s2] =	stream.linear.scatter [tilespmem:s5], [sflag:$0x7], $0x200, $0x38;
	[tilespmem:$0xE00] =	vst v63  }
0x1c8: {  	_ =	swait.ge [sflag:s3], $0x200  }
0x1c9: {  	[sflag:s3] =	ssyncset.done $0x0  }
0x1ca: {  	[sflag:s3] =	ssyncadd.s32 $0xFFFFFE00  }
0x1cb: {  	_ =	swait.ge [sflag:s6], $0x80  }
0x1cc: {  	[sflag:s6] =	ssyncset.done $0x0  }
0x1cd: {  	[sflag:s6] =	ssyncadd.s32 $0xFFFFFF80  }
0x1ce: {  	_ =	swait.ge [sflag:s6], $0x80  }
0x1cf: {  	[sflag:s6] =	ssyncset.done $0x0  }
0x1d0: {  	[sflag:s6] =	ssyncadd.s32 $0xFFFFFF80  }
0x1d1: {  	_ =	swait.ge [sflag:s6], $0x80  }
0x1d2: {  	[sflag:s6] =	ssyncset.done $0x0  }
0x1d3: {  	[sflag:s6] =	ssyncadd.s32 $0xFFFFFF80  }
0x1d4: {  	_ =	swait.ge [sflag:s6], $0x80  }
0x1d5: {  	[sflag:s6] =	ssyncset.done $0x0  }
0x1d6: {  	s30 =	rddreg [dreg:$0x9];
	[sflag:s6] =	ssyncadd.s32 $0xFFFFFF80  }
0x1d7: {  	[hbm4b:s30+s2] =	stream.linear.scatter [tilespmem:s4], [sflag:$0x7], $0x200, $0x38;
	[tilespmem:$0xE00] =	vst v63  }
0x1d8: {  	_ =	swait.ge [sflag:s3], $0x200  }
0x1d9: {  	[sflag:s3] =	ssyncset.done $0x0  }
0x1da: {  	[sflag:s3] =	ssyncadd.s32 $0xFFFFFE00  }
0x1db: {  	_ =	sfence.sel $0x180000  }
0x1dc: {  	s31 =	stileid.u32;
	[bflag:$0x0] =	sbarrier.arrive $0xFFFF  }
0x1dd: {  	p0 =	sne.s32 s31, $0x0;
	_ =	strace $0x90000047  }
0x1de: {  	s0 =	sadd.s32 @!p0 $0x100000, s26;
	[bflag:$0x2] =	sbarrier.arrive $0xFFFF  }
0x1df: {  	[sflag:s0] =	ssyncadd.tile.s32 @!p0 $0x1;
	_ =	shalt  }
.LBB2_1:
.Ltmp3:
0x1e0: {  	(pc) =	sbr.rel .LBB2_6-.Ltmp3, $3  }
0x1e1: {  	_ =	sdelay $0x1  }
0x1e2: {  	s31 =	simm.s32 $0x780  }
0x1e3: {  	s30 =	simm.s32 $0xB80;
	s29 =	simm.s32 $0x580;
	s28 =	simm.s32 $0x980  }
.LBB2_3:
.Ltmp4:
0x1e4: {  	(pc) =	sbr.rel .LBB2_6-.Ltmp4, $3  }
0x1e5: {  	_ =	sdelay $0x1  }
0x1e6: {  	s31 =	simm.s32 $0x780;
	s30 =	simm.s32 $0xB80  }
0x1e7: {  	s29 =	simm.s32 $0x580;
	s28 =	simm.s32 $0x980;
	s26 =	rddreg [dreg:$0x3]  }
.Lfunc_end2:
_tile_overlayer_lowered:
.L_overlay_start_2:
0x1e8: {  	(tag) =	ssettag $0x2  }
0x1e9: {  	s0 =	rddreg [dreg:$0x0];
	s2 =	stileid.u32  }
0x1ea: {  	s1 =	rddreg [dreg:$0x1];
	p0 =	sne.s32 s2, $0x0  }
0x1eb: {  	s3 =	rddreg [dreg:$0x2];
	[bflag:$0x3] =	sbarrier.arrive $0xFFFF;
	s2 =	simm.s32 @!p0 $0x1C07  }
0x1ec: {  	[timem:s3], [sflag:s2] =	dma.local @!p0 [hbm:s0], s1  }
0x1ed: {  	s0 =	simm.s32 @!p0 $0x7  }
0x1ee: {  	_ =	swait.ge @!p0 [sflag:s0], s1  }
0x1ef: {  	s1 =	ssub.s32 @!p0 $0x0, s1;
	[sflag:s0] =	ssyncset.done @!p0 $0x0  }
0x1f0: {  	[sflag:s0] =	ssyncadd.s32 @!p0 s1  }
0x1f1: {  	[bflag:$0x3] =	sbarrier.arrive $0xFFFF  }
0x1f2: {  	_ =	shalt  }

</sc_bundles>
